<compile_context>
chip_gen: v7x
topology: tpu7x:2x2x1
jax: 0.10.2.dev20260603
libtpu: 0.0.44.dev20260713+nightly
codegen_flags: <defaults>
</compile_context>

<pallas_src>
import functools

import jax
import jax.numpy as jnp
from jax import lax
from jax.experimental import pallas as pl
from jax.experimental.pallas import tpu as pltpu
from jax.experimental.pallas import tpu_sc as plsc

CP = 16
WPAD = 128
NC = 2
NS = 16
NW = NC * NS
CHUNK = 128
L = 16


def _mm_body(x_ref, w_ref, b_ref, o_ref):
    c = w_ref.shape[0]
    y = lax.dot_general(x_ref[...], w_ref[...], (((1,), (1,)), ((), ())),
                        preferred_element_type=jnp.float32)
    y = y + b_ref[...] * (1.0 / 3.0)
    o_ref[...] = jnp.pad(y, ((0, 0), (0, WPAD - c)))


def _project(x, w, b1):
    bs, h = x.shape
    c = w.shape[0]
    blk = 2048
    while bs % blk != 0:
        blk //= 2
    return pl.pallas_call(
        _mm_body,
        grid=(bs // blk,),
        in_specs=[
            pl.BlockSpec((blk, h), lambda i: (i, 0)),
            pl.BlockSpec((c, h), lambda i: (0, 0)),
            pl.BlockSpec((1, c), lambda i: (0, 0)),
        ],
        out_specs=pl.BlockSpec((blk, WPAD), lambda i: (i, 0)),
        out_shape=jax.ShapeDtypeStruct((bs, WPAD), jnp.float32),
        compiler_params=pltpu.CompilerParams(
            vmem_limit_bytes=100 * 1024 * 1024),
    )(x, w, b1)


def _make_sc_gather(B, T, S, C):
    wpb = NW // B
    trip_w = (B * T) // NW
    n_ids = 3 * trip_w
    n_blk = n_ids // CHUNK
    mesh = plsc.VectorSubcoreMesh(core_axis_name="c", subcore_axis_name="s")

    @functools.partial(
        pl.kernel,
        mesh=mesh,
        out_type=jax.ShapeDtypeStruct((C, T // CHUNK, B, CHUNK), jnp.float32),
        scratch_types=[
            pltpu.VMEM((n_ids,), jnp.int32),
            pltpu.VMEM((n_ids, CP), jnp.float32),
            pltpu.VMEM((C, trip_w), jnp.float32),
            pltpu.SemaphoreType.DMA,
        ],
        compiler_params=pltpu.CompilerParams(use_tc_tiling_on_sc=False,
                                             needs_layout_passes=False),
    )
    def sc_kernel(table_hbm, idx_hbm, out_hbm, idx_v, rows_v, outT_v, sem):
        wid = lax.axis_index("s") * NC + lax.axis_index("c")
        bb = wid // wpb
        woff = wid % wpb
        tpw = trip_w // CHUNK
        for a in range(3):
            for k in range(tpw):
                pltpu.sync_copy(
                    idx_hbm.at[a, woff * tpw + k, bb],
                    idx_v.at[pl.ds(a * trip_w + k * CHUNK, CHUNK)])
        base = jnp.full((L,), bb * S, jnp.int32)
        mul8 = jnp.full((L,), WPAD // CP, jnp.int32)

        def add_base(i, _):
            idx_v[pl.ds(i * L, L)] = (idx_v[pl.ds(i * L, L)] + base) * mul8
            return 0

        lax.fori_loop(0, n_ids // L, add_base, 0)
        copies = []
        for j in range(n_blk):
            copies.append(pltpu.async_copy(
                table_hbm.at[idx_v.at[pl.ds(j * CHUNK, CHUNK)]],
                rows_v.at[pl.ds(j * CHUNK, CHUNK)], sem))
        for cp in copies:
            cp.wait()
        lane = lax.iota(jnp.int32, L)

        for c in range(C):
            cc = jnp.full((L,), c, jnp.int32)

            def body(j, _, cc=cc, c=c):
                r = j * L + lane
                v = (plsc.load_gather(rows_v, [r, cc])
                     + plsc.load_gather(rows_v, [r + trip_w, cc])
                     + plsc.load_gather(rows_v, [r + 2 * trip_w, cc]))
                outT_v[c, pl.ds(j * L, L)] = v
                return 0

            lax.fori_loop(0, trip_w // L, body, 0)
        for c in range(C):
            for k in range(trip_w // CHUNK):
                pltpu.sync_copy(
                    outT_v.at[c, pl.ds(k * CHUNK, CHUNK)],
                    out_hbm.at[c, woff * (trip_w // CHUNK) + k, bb])

    return sc_kernel


def kernel(hidden_states, triple_anchor_ids, W, b):
    B, S, H = hidden_states.shape
    _, T, _ = triple_anchor_ids.shape
    C = W.shape[0]
    BS = B * S
    N = B * T

    assert NW % B == 0 and (3 * N) % (NW * CHUNK) == 0

    P = _project(hidden_states.reshape(BS, H), W, b.reshape(1, C))
    table = P.reshape(BS * (WPAD // CP), CP)
    idx = (triple_anchor_ids.astype(jnp.int32).transpose(2, 1, 0)
           .reshape(3, T // CHUNK, CHUNK, B).transpose(0, 1, 3, 2))

    out = _make_sc_gather(B, T, S, C)(table, idx)

    return out.transpose(2, 1, 3, 0).reshape(B, T, C)

# --- scband reference (transcript-rebuilt; emitter-appended) ---
"""Pipeline reference for scband-triple-geometric-head-81458349736065 (READ-ONLY COPY).

The authoritative reference and input builder live on the scoring server;
editing this copy changes nothing except your own understanding.
"""

import jax, jax.numpy as jnp
import numpy as np

B, S, H = 4, 4096, 1024
T = 2048
C = 3

def setup_inputs(seed: int = 0) -> dict:
    key = jax.random.key(seed)
    k1, k2, k3 = jax.random.split(key, 3)
    hidden_states = jax.random.normal(k1, (B, S, H), dtype=jnp.float32)
    triple_anchor_ids = jax.random.randint(k2, (B, T, 3), 0, S, dtype=jnp.int64)
    W = jax.random.normal(k3, (C, H), dtype=jnp.float32) * 0.02
    b = jnp.zeros((C,), dtype=jnp.float32)
    return {"hidden_states": hidden_states, "triple_anchor_ids": triple_anchor_ids, "W": W, "b": b}

def reference(hidden_states, triple_anchor_ids, W, b):
    batch_size, sample_triple_num, _ = triple_anchor_ids.shape
    # batch index broadcast: [B,1,1] expanded against [B,T,3]
    batch_idx = jnp.arange(batch_size)[:, None, None]
    # gather: [B, T, 3, H]
    triple_feat = hidden_states[batch_idx, triple_anchor_ids]
    # sum over the 3 anchors: [B, T, H]
    triple_feat = jnp.sum(triple_feat, axis=2)
    # linear projection to triple_cls_num classes: [B, T, C]
    triple_cls_feat = triple_feat @ W.T + b
    return triple_cls_feat

if __name__ == "__main__":
    import jax
    _d = setup_inputs()
    print(jax.jit(kernel)(*tuple(_d.values())))

</pallas_src>

<mosaic_0001>
#map = affine_map<(d0, d1) -> (0, 0)>
#map1 = affine_map<(d0, d1) -> (0, 0, 0, 0)>
module attributes {stable_mosaic.version = 14 : i64} {
  func.func @sc_kernel(%arg0: i32, %arg1: i32, %arg2: memref<131072x16xf32, #tpu.memory_space<hbm>>, %arg3: memref<3x16x4x128xi32, #tpu.memory_space<hbm>>, %arg4: memref<3x16x4x128xf32, #tpu.memory_space<hbm>>, %arg5: memref<768xi32, #tpu.memory_space<vmem>>, %arg6: memref<768x16xf32, #tpu.memory_space<vmem>>, %arg7: memref<3x256xf32, #tpu.memory_space<vmem>>, %arg8: memref<!tpu.dma_semaphore, #tpu.memory_space<semaphore_mem>>) attributes {dimension_semantics = [#tpu.dimension_semantics<core_parallel>, #tpu.dimension_semantics<subcore_parallel>], iteration_bounds = array<i64: 2, 16>, scalar_prefetch = 0 : i64, scratch_operands = 4 : i64, tpu.core_type = #tpu.core_type<sc_vector_subcore>, window_params = [{transform_indices = #map}, {transform_indices = #map1}, {transform_indices = #map1}]} {
    %mul3A = arith.constant 2 : i32
    %mul3A_0 = arith.muli %arg1, %mul3A : i32
    %add3A = arith.addi %mul3A_0, %arg0 : i32
    %jit3A = arith.constant 8 : i32
    %div3A = arith.divsi %add3A, %jit3A : i32
    %sign3A = arith.constant 0 : i32
    %sign3A_1 = arith.cmpi sgt, %add3A, %sign3A : i32
    %sign3A_2 = arith.extui %sign3A_1 : i1 to i32
    %sign3A_3 = arith.constant 0 : i32
    %sign3A_4 = arith.cmpi slt, %add3A, %sign3A_3 : i32
    %sign3A_5 = arith.extui %sign3A_4 : i1 to i32
    %sign3A_6 = arith.subi %sign3A_2, %sign3A_5 : i32
    %sign3A_7 = arith.constant 0 : i32
    %sign3A_8 = arith.cmpi sgt, %jit3A, %sign3A_7 : i32
    %sign3A_9 = arith.extui %sign3A_8 : i1 to i32
    %sign3A_10 = arith.constant 0 : i32
    %sign3A_11 = arith.cmpi slt, %jit3A, %sign3A_10 : i32
    %sign3A_12 = arith.extui %sign3A_11 : i1 to i32
    %sign3A_13 = arith.subi %sign3A_9, %sign3A_12 : i32
    %ne3A = arith.cmpi ne, %sign3A_6, %sign3A_13 : i32
    %rem3A = arith.remsi %add3A, %jit3A : i32
    %ne3A_14 = arith.constant 0 : i32
    %ne3A_15 = arith.cmpi ne, %rem3A, %ne3A_14 : i32
    %and3A = arith.andi %ne3A, %ne3A_15 : i1
    %sub3A = arith.constant 1 : i32
    %sub3A_16 = arith.subi %div3A, %sub3A : i32
    %select_n3A = arith.select %and3A, %sub3A_16, %div3A : i32
    %jit3A_17 = arith.constant 8 : i32
    %eq3A = arith.constant 0 : i32
    %eq3A_18 = arith.cmpi eq, %jit3A_17, %eq3A : i32
    %jit3A_19 = arith.constant 1 : i32
    %select_n3A_20 = arith.select %eq3A_18, %jit3A_19, %jit3A_17 : i32
    %rem3A_21 = arith.remsi %add3A, %select_n3A_20 : i32
    %ne3A_22 = arith.constant 0 : i32
    %ne3A_23 = arith.cmpi ne, %rem3A_21, %ne3A_22 : i32
    %lt3A = arith.constant 0 : i32
    %lt3A_24 = arith.cmpi slt, %rem3A_21, %lt3A : i32
    %lt3A_25 = arith.constant 0 : i32
    %lt3A_26 = arith.cmpi slt, %select_n3A_20, %lt3A_25 : i32
    %ne3A_27 = arith.xori %lt3A_24, %lt3A_26 : i1
    %and3A_28 = arith.andi %ne3A_27, %ne3A_23 : i1
    %add3A_29 = arith.addi %rem3A_21, %select_n3A_20 : i32
    %select_n3A_30 = arith.select %and3A_28, %add3A_29, %rem3A_21 : i32
    %mul3A_31 = arith.constant 2 : i32
    %mul3A_32 = arith.muli %select_n3A_30, %mul3A_31 : i32
    %add3A_33 = arith.constant 0 : i32
    %add3A_34 = arith.addi %mul3A_32, %add3A_33 : i32
    %run_scoped3A = arith.constant 0 : i32
    "tpu.region"() ({
      %run_scoped3A_227 = tpu.sem_alloc : memref<!tpu.dma_semaphore, #tpu.memory_space<semaphore_mem>>
      %dma_start3A_228 = arith.constant 0 : i32
      %dma_start3A_229 = tpu.memref_slice %arg5[%dma_start3A_228] : memref<768xi32, #tpu.memory_space<vmem>> -> memref<128xi32, #tpu.memory_space<vmem>>
      %dma_start3A_230 = arith.constant 0 : i32
      %dma_start3A_231 = tpu.memref_slice %arg3[%run_scoped3A, %add3A_34, %select_n3A, %dma_start3A_230] : memref<3x16x4x128xi32, #tpu.memory_space<hbm>> -> memref<1x1x1x128xi32, #tpu.memory_space<hbm>>
      %dma_start3A_232 = tpu.memref_squeeze %dma_start3A_231 : memref<1x1x1x128xi32, #tpu.memory_space<hbm>> -> memref<128xi32, #tpu.memory_space<hbm>>
      %dma_start3A_233 = arith.constant 0 : i32
      %dma_start3A_234 = tpu.memref_slice %arg5[%dma_start3A_233] : memref<768xi32, #tpu.memory_space<vmem>> -> memref<128xi32, #tpu.memory_space<vmem>>
      %dma_start3A_235 = arith.constant 0 : i32
      %dma_start3A_236 = tpu.memref_slice %arg3[%run_scoped3A, %add3A_34, %select_n3A, %dma_start3A_235] : memref<3x16x4x128xi32, #tpu.memory_space<hbm>> -> memref<1x1x1x128xi32, #tpu.memory_space<hbm>>
      %dma_start3A_237 = tpu.memref_squeeze %dma_start3A_236 : memref<1x1x1x128xi32, #tpu.memory_space<hbm>> -> memref<128xi32, #tpu.memory_space<hbm>>
      tpu.enqueue_dma source(%dma_start3A_237 : memref<128xi32, #tpu.memory_space<hbm>>) target(%dma_start3A_234 : memref<128xi32, #tpu.memory_space<vmem>>) target_semaphore(%run_scoped3A_227 : memref<!tpu.dma_semaphore, #tpu.memory_space<semaphore_mem>>)
      %dma_wait3A_238 = arith.constant 0 : i32
      %dma_wait3A_239 = tpu.memref_slice %arg5[%dma_wait3A_238] : memref<768xi32, #tpu.memory_space<vmem>> -> memref<128xi32, #tpu.memory_space<vmem>>
      %dma_wait3A_240 = arith.constant 0 : i32
      %dma_wait3A_241 = tpu.memref_slice %arg3[%run_scoped3A, %add3A_34, %select_n3A, %dma_wait3A_240] : memref<3x16x4x128xi32, #tpu.memory_space<hbm>> -> memref<1x1x1x128xi32, #tpu.memory_space<hbm>>
      %dma_wait3A_242 = tpu.memref_squeeze %dma_wait3A_241 : memref<1x1x1x128xi32, #tpu.memory_space<hbm>> -> memref<128xi32, #tpu.memory_space<hbm>>
      %dma_wait3A_243 = arith.constant 0 : i32
      %dma_wait3A_244 = tpu.memref_slice %arg5[%dma_wait3A_243] : memref<768xi32, #tpu.memory_space<vmem>> -> memref<128xi32, #tpu.memory_space<vmem>>
      %dma_wait3A_245 = arith.constant 0 : i32
      %dma_wait3A_246 = tpu.memref_slice %arg3[%run_scoped3A, %add3A_34, %select_n3A, %dma_wait3A_245] : memref<3x16x4x128xi32, #tpu.memory_space<hbm>> -> memref<1x1x1x128xi32, #tpu.memory_space<hbm>>
      %dma_wait3A_247 = tpu.memref_squeeze %dma_wait3A_246 : memref<1x1x1x128xi32, #tpu.memory_space<hbm>> -> memref<128xi32, #tpu.memory_space<hbm>>
      tpu.wait_dma2 semaphore(%run_scoped3A_227 : memref<!tpu.dma_semaphore, #tpu.memory_space<semaphore_mem>>) src(%dma_wait3A_247 : memref<128xi32, #tpu.memory_space<hbm>>) dst(%dma_wait3A_244 : memref<128xi32, #tpu.memory_space<vmem>>)
      tpu.yield
    }) : () -> ()
    %mul3A_35 = arith.constant 2 : i32
    %mul3A_36 = arith.muli %select_n3A_30, %mul3A_35 : i32
    %add3A_37 = arith.constant 1 : i32
    %add3A_38 = arith.addi %mul3A_36, %add3A_37 : i32
    %run_scoped3A_39 = arith.constant 0 : i32
    "tpu.region"() ({
      %run_scoped3A_227 = tpu.sem_alloc : memref<!tpu.dma_semaphore, #tpu.memory_space<semaphore_mem>>
      %dma_start3A_228 = arith.constant 128 : i32
      %dma_start3A_229 = tpu.memref_slice %arg5[%dma_start3A_228] : memref<768xi32, #tpu.memory_space<vmem>> -> memref<128xi32, #tpu.memory_space<vmem>>
      %dma_start3A_230 = arith.constant 0 : i32
      %dma_start3A_231 = tpu.memref_slice %arg3[%run_scoped3A_39, %add3A_38, %select_n3A, %dma_start3A_230] : memref<3x16x4x128xi32, #tpu.memory_space<hbm>> -> memref<1x1x1x128xi32, #tpu.memory_space<hbm>>
      %dma_start3A_232 = tpu.memref_squeeze %dma_start3A_231 : memref<1x1x1x128xi32, #tpu.memory_space<hbm>> -> memref<128xi32, #tpu.memory_space<hbm>>
      %dma_start3A_233 = arith.constant 128 : i32
      %dma_start3A_234 = tpu.memref_slice %arg5[%dma_start3A_233] : memref<768xi32, #tpu.memory_space<vmem>> -> memref<128xi32, #tpu.memory_space<vmem>>
      %dma_start3A_235 = arith.constant 0 : i32
      %dma_start3A_236 = tpu.memref_slice %arg3[%run_scoped3A_39, %add3A_38, %select_n3A, %dma_start3A_235] : memref<3x16x4x128xi32, #tpu.memory_space<hbm>> -> memref<1x1x1x128xi32, #tpu.memory_space<hbm>>
      %dma_start3A_237 = tpu.memref_squeeze %dma_start3A_236 : memref<1x1x1x128xi32, #tpu.memory_space<hbm>> -> memref<128xi32, #tpu.memory_space<hbm>>
      tpu.enqueue_dma source(%dma_start3A_237 : memref<128xi32, #tpu.memory_space<hbm>>) target(%dma_start3A_234 : memref<128xi32, #tpu.memory_space<vmem>>) target_semaphore(%run_scoped3A_227 : memref<!tpu.dma_semaphore, #tpu.memory_space<semaphore_mem>>)
      %dma_wait3A_238 = arith.constant 128 : i32
      %dma_wait3A_239 = tpu.memref_slice %arg5[%dma_wait3A_238] : memref<768xi32, #tpu.memory_space<vmem>> -> memref<128xi32, #tpu.memory_space<vmem>>
      %dma_wait3A_240 = arith.constant 0 : i32
      %dma_wait3A_241 = tpu.memref_slice %arg3[%run_scoped3A_39, %add3A_38, %select_n3A, %dma_wait3A_240] : memref<3x16x4x128xi32, #tpu.memory_space<hbm>> -> memref<1x1x1x128xi32, #tpu.memory_space<hbm>>
      %dma_wait3A_242 = tpu.memref_squeeze %dma_wait3A_241 : memref<1x1x1x128xi32, #tpu.memory_space<hbm>> -> memref<128xi32, #tpu.memory_space<hbm>>
      %dma_wait3A_243 = arith.constant 128 : i32
      %dma_wait3A_244 = tpu.memref_slice %arg5[%dma_wait3A_243] : memref<768xi32, #tpu.memory_space<vmem>> -> memref<128xi32, #tpu.memory_space<vmem>>
      %dma_wait3A_245 = arith.constant 0 : i32
      %dma_wait3A_246 = tpu.memref_slice %arg3[%run_scoped3A_39, %add3A_38, %select_n3A, %dma_wait3A_245] : memref<3x16x4x128xi32, #tpu.memory_space<hbm>> -> memref<1x1x1x128xi32, #tpu.memory_space<hbm>>
      %dma_wait3A_247 = tpu.memref_squeeze %dma_wait3A_246 : memref<1x1x1x128xi32, #tpu.memory_space<hbm>> -> memref<128xi32, #tpu.memory_space<hbm>>
      tpu.wait_dma2 semaphore(%run_scoped3A_227 : memref<!tpu.dma_semaphore, #tpu.memory_space<semaphore_mem>>) src(%dma_wait3A_247 : memref<128xi32, #tpu.memory_space<hbm>>) dst(%dma_wait3A_244 : memref<128xi32, #tpu.memory_space<vmem>>)
      tpu.yield
    }) : () -> ()
    %mul3A_40 = arith.constant 2 : i32
    %mul3A_41 = arith.muli %select_n3A_30, %mul3A_40 : i32
    %add3A_42 = arith.constant 0 : i32
    %add3A_43 = arith.addi %mul3A_41, %add3A_42 : i32
    %run_scoped3A_44 = arith.constant 1 : i32
    "tpu.region"() ({
      %run_scoped3A_227 = tpu.sem_alloc : memref<!tpu.dma_semaphore, #tpu.memory_space<semaphore_mem>>
      %dma_start3A_228 = arith.constant 256 : i32
      %dma_start3A_229 = tpu.memref_slice %arg5[%dma_start3A_228] : memref<768xi32, #tpu.memory_space<vmem>> -> memref<128xi32, #tpu.memory_space<vmem>>
      %dma_start3A_230 = arith.constant 0 : i32
      %dma_start3A_231 = tpu.memref_slice %arg3[%run_scoped3A_44, %add3A_43, %select_n3A, %dma_start3A_230] : memref<3x16x4x128xi32, #tpu.memory_space<hbm>> -> memref<1x1x1x128xi32, #tpu.memory_space<hbm>>
      %dma_start3A_232 = tpu.memref_squeeze %dma_start3A_231 : memref<1x1x1x128xi32, #tpu.memory_space<hbm>> -> memref<128xi32, #tpu.memory_space<hbm>>
      %dma_start3A_233 = arith.constant 256 : i32
      %dma_start3A_234 = tpu.memref_slice %arg5[%dma_start3A_233] : memref<768xi32, #tpu.memory_space<vmem>> -> memref<128xi32, #tpu.memory_space<vmem>>
      %dma_start3A_235 = arith.constant 0 : i32
      %dma_start3A_236 = tpu.memref_slice %arg3[%run_scoped3A_44, %add3A_43, %select_n3A, %dma_start3A_235] : memref<3x16x4x128xi32, #tpu.memory_space<hbm>> -> memref<1x1x1x128xi32, #tpu.memory_space<hbm>>
      %dma_start3A_237 = tpu.memref_squeeze %dma_start3A_236 : memref<1x1x1x128xi32, #tpu.memory_space<hbm>> -> memref<128xi32, #tpu.memory_space<hbm>>
      tpu.enqueue_dma source(%dma_start3A_237 : memref<128xi32, #tpu.memory_space<hbm>>) target(%dma_start3A_234 : memref<128xi32, #tpu.memory_space<vmem>>) target_semaphore(%run_scoped3A_227 : memref<!tpu.dma_semaphore, #tpu.memory_space<semaphore_mem>>)
      %dma_wait3A_238 = arith.constant 256 : i32
      %dma_wait3A_239 = tpu.memref_slice %arg5[%dma_wait3A_238] : memref<768xi32, #tpu.memory_space<vmem>> -> memref<128xi32, #tpu.memory_space<vmem>>
      %dma_wait3A_240 = arith.constant 0 : i32
      %dma_wait3A_241 = tpu.memref_slice %arg3[%run_scoped3A_44, %add3A_43, %select_n3A, %dma_wait3A_240] : memref<3x16x4x128xi32, #tpu.memory_space<hbm>> -> memref<1x1x1x128xi32, #tpu.memory_space<hbm>>
      %dma_wait3A_242 = tpu.memref_squeeze %dma_wait3A_241 : memref<1x1x1x128xi32, #tpu.memory_space<hbm>> -> memref<128xi32, #tpu.memory_space<hbm>>
      %dma_wait3A_243 = arith.constant 256 : i32
      %dma_wait3A_244 = tpu.memref_slice %arg5[%dma_wait3A_243] : memref<768xi32, #tpu.memory_space<vmem>> -> memref<128xi32, #tpu.memory_space<vmem>>
      %dma_wait3A_245 = arith.constant 0 : i32
      %dma_wait3A_246 = tpu.memref_slice %arg3[%run_scoped3A_44, %add3A_43, %select_n3A, %dma_wait3A_245] : memref<3x16x4x128xi32, #tpu.memory_space<hbm>> -> memref<1x1x1x128xi32, #tpu.memory_space<hbm>>
      %dma_wait3A_247 = tpu.memref_squeeze %dma_wait3A_246 : memref<1x1x1x128xi32, #tpu.memory_space<hbm>> -> memref<128xi32, #tpu.memory_space<hbm>>
      tpu.wait_dma2 semaphore(%run_scoped3A_227 : memref<!tpu.dma_semaphore, #tpu.memory_space<semaphore_mem>>) src(%dma_wait3A_247 : memref<128xi32, #tpu.memory_space<hbm>>) dst(%dma_wait3A_244 : memref<128xi32, #tpu.memory_space<vmem>>)
      tpu.yield
    }) : () -> ()
    %mul3A_45 = arith.constant 2 : i32
    %mul3A_46 = arith.muli %select_n3A_30, %mul3A_45 : i32
    %add3A_47 = arith.constant 1 : i32
    %add3A_48 = arith.addi %mul3A_46, %add3A_47 : i32
    %run_scoped3A_49 = arith.constant 1 : i32
    "tpu.region"() ({
      %run_scoped3A_227 = tpu.sem_alloc : memref<!tpu.dma_semaphore, #tpu.memory_space<semaphore_mem>>
      %dma_start3A_228 = arith.constant 384 : i32
      %dma_start3A_229 = tpu.memref_slice %arg5[%dma_start3A_228] : memref<768xi32, #tpu.memory_space<vmem>> -> memref<128xi32, #tpu.memory_space<vmem>>
      %dma_start3A_230 = arith.constant 0 : i32
      %dma_start3A_231 = tpu.memref_slice %arg3[%run_scoped3A_49, %add3A_48, %select_n3A, %dma_start3A_230] : memref<3x16x4x128xi32, #tpu.memory_space<hbm>> -> memref<1x1x1x128xi32, #tpu.memory_space<hbm>>
      %dma_start3A_232 = tpu.memref_squeeze %dma_start3A_231 : memref<1x1x1x128xi32, #tpu.memory_space<hbm>> -> memref<128xi32, #tpu.memory_space<hbm>>
      %dma_start3A_233 = arith.constant 384 : i32
      %dma_start3A_234 = tpu.memref_slice %arg5[%dma_start3A_233] : memref<768xi32, #tpu.memory_space<vmem>> -> memref<128xi32, #tpu.memory_space<vmem>>
      %dma_start3A_235 = arith.constant 0 : i32
      %dma_start3A_236 = tpu.memref_slice %arg3[%run_scoped3A_49, %add3A_48, %select_n3A, %dma_start3A_235] : memref<3x16x4x128xi32, #tpu.memory_space<hbm>> -> memref<1x1x1x128xi32, #tpu.memory_space<hbm>>
      %dma_start3A_237 = tpu.memref_squeeze %dma_start3A_236 : memref<1x1x1x128xi32, #tpu.memory_space<hbm>> -> memref<128xi32, #tpu.memory_space<hbm>>
      tpu.enqueue_dma source(%dma_start3A_237 : memref<128xi32, #tpu.memory_space<hbm>>) target(%dma_start3A_234 : memref<128xi32, #tpu.memory_space<vmem>>) target_semaphore(%run_scoped3A_227 : memref<!tpu.dma_semaphore, #tpu.memory_space<semaphore_mem>>)
      %dma_wait3A_238 = arith.constant 384 : i32
      %dma_wait3A_239 = tpu.memref_slice %arg5[%dma_wait3A_238] : memref<768xi32, #tpu.memory_space<vmem>> -> memref<128xi32, #tpu.memory_space<vmem>>
      %dma_wait3A_240 = arith.constant 0 : i32
      %dma_wait3A_241 = tpu.memref_slice %arg3[%run_scoped3A_49, %add3A_48, %select_n3A, %dma_wait3A_240] : memref<3x16x4x128xi32, #tpu.memory_space<hbm>> -> memref<1x1x1x128xi32, #tpu.memory_space<hbm>>
      %dma_wait3A_242 = tpu.memref_squeeze %dma_wait3A_241 : memref<1x1x1x128xi32, #tpu.memory_space<hbm>> -> memref<128xi32, #tpu.memory_space<hbm>>
      %dma_wait3A_243 = arith.constant 384 : i32
      %dma_wait3A_244 = tpu.memref_slice %arg5[%dma_wait3A_243] : memref<768xi32, #tpu.memory_space<vmem>> -> memref<128xi32, #tpu.memory_space<vmem>>
      %dma_wait3A_245 = arith.constant 0 : i32
      %dma_wait3A_246 = tpu.memref_slice %arg3[%run_scoped3A_49, %add3A_48, %select_n3A, %dma_wait3A_245] : memref<3x16x4x128xi32, #tpu.memory_space<hbm>> -> memref<1x1x1x128xi32, #tpu.memory_space<hbm>>
      %dma_wait3A_247 = tpu.memref_squeeze %dma_wait3A_246 : memref<1x1x1x128xi32, #tpu.memory_space<hbm>> -> memref<128xi32, #tpu.memory_space<hbm>>
      tpu.wait_dma2 semaphore(%run_scoped3A_227 : memref<!tpu.dma_semaphore, #tpu.memory_space<semaphore_mem>>) src(%dma_wait3A_247 : memref<128xi32, #tpu.memory_space<hbm>>) dst(%dma_wait3A_244 : memref<128xi32, #tpu.memory_space<vmem>>)
      tpu.yield
    }) : () -> ()
    %mul3A_50 = arith.constant 2 : i32
    %mul3A_51 = arith.muli %select_n3A_30, %mul3A_50 : i32
    %add3A_52 = arith.constant 0 : i32
    %add3A_53 = arith.addi %mul3A_51, %add3A_52 : i32
    %run_scoped3A_54 = arith.constant 2 : i32
    "tpu.region"() ({
      %run_scoped3A_227 = tpu.sem_alloc : memref<!tpu.dma_semaphore, #tpu.memory_space<semaphore_mem>>
      %dma_start3A_228 = arith.constant 512 : i32
      %dma_start3A_229 = tpu.memref_slice %arg5[%dma_start3A_228] : memref<768xi32, #tpu.memory_space<vmem>> -> memref<128xi32, #tpu.memory_space<vmem>>
      %dma_start3A_230 = arith.constant 0 : i32
      %dma_start3A_231 = tpu.memref_slice %arg3[%run_scoped3A_54, %add3A_53, %select_n3A, %dma_start3A_230] : memref<3x16x4x128xi32, #tpu.memory_space<hbm>> -> memref<1x1x1x128xi32, #tpu.memory_space<hbm>>
      %dma_start3A_232 = tpu.memref_squeeze %dma_start3A_231 : memref<1x1x1x128xi32, #tpu.memory_space<hbm>> -> memref<128xi32, #tpu.memory_space<hbm>>
      %dma_start3A_233 = arith.constant 512 : i32
      %dma_start3A_234 = tpu.memref_slice %arg5[%dma_start3A_233] : memref<768xi32, #tpu.memory_space<vmem>> -> memref<128xi32, #tpu.memory_space<vmem>>
      %dma_start3A_235 = arith.constant 0 : i32
      %dma_start3A_236 = tpu.memref_slice %arg3[%run_scoped3A_54, %add3A_53, %select_n3A, %dma_start3A_235] : memref<3x16x4x128xi32, #tpu.memory_space<hbm>> -> memref<1x1x1x128xi32, #tpu.memory_space<hbm>>
      %dma_start3A_237 = tpu.memref_squeeze %dma_start3A_236 : memref<1x1x1x128xi32, #tpu.memory_space<hbm>> -> memref<128xi32, #tpu.memory_space<hbm>>
      tpu.enqueue_dma source(%dma_start3A_237 : memref<128xi32, #tpu.memory_space<hbm>>) target(%dma_start3A_234 : memref<128xi32, #tpu.memory_space<vmem>>) target_semaphore(%run_scoped3A_227 : memref<!tpu.dma_semaphore, #tpu.memory_space<semaphore_mem>>)
      %dma_wait3A_238 = arith.constant 512 : i32
      %dma_wait3A_239 = tpu.memref_slice %arg5[%dma_wait3A_238] : memref<768xi32, #tpu.memory_space<vmem>> -> memref<128xi32, #tpu.memory_space<vmem>>
      %dma_wait3A_240 = arith.constant 0 : i32
      %dma_wait3A_241 = tpu.memref_slice %arg3[%run_scoped3A_54, %add3A_53, %select_n3A, %dma_wait3A_240] : memref<3x16x4x128xi32, #tpu.memory_space<hbm>> -> memref<1x1x1x128xi32, #tpu.memory_space<hbm>>
      %dma_wait3A_242 = tpu.memref_squeeze %dma_wait3A_241 : memref<1x1x1x128xi32, #tpu.memory_space<hbm>> -> memref<128xi32, #tpu.memory_space<hbm>>
      %dma_wait3A_243 = arith.constant 512 : i32
      %dma_wait3A_244 = tpu.memref_slice %arg5[%dma_wait3A_243] : memref<768xi32, #tpu.memory_space<vmem>> -> memref<128xi32, #tpu.memory_space<vmem>>
      %dma_wait3A_245 = arith.constant 0 : i32
      %dma_wait3A_246 = tpu.memref_slice %arg3[%run_scoped3A_54, %add3A_53, %select_n3A, %dma_wait3A_245] : memref<3x16x4x128xi32, #tpu.memory_space<hbm>> -> memref<1x1x1x128xi32, #tpu.memory_space<hbm>>
      %dma_wait3A_247 = tpu.memref_squeeze %dma_wait3A_246 : memref<1x1x1x128xi32, #tpu.memory_space<hbm>> -> memref<128xi32, #tpu.memory_space<hbm>>
      tpu.wait_dma2 semaphore(%run_scoped3A_227 : memref<!tpu.dma_semaphore, #tpu.memory_space<semaphore_mem>>) src(%dma_wait3A_247 : memref<128xi32, #tpu.memory_space<hbm>>) dst(%dma_wait3A_244 : memref<128xi32, #tpu.memory_space<vmem>>)
      tpu.yield
    }) : () -> ()
    %mul3A_55 = arith.constant 2 : i32
    %mul3A_56 = arith.muli %select_n3A_30, %mul3A_55 : i32
    %add3A_57 = arith.constant 1 : i32
    %add3A_58 = arith.addi %mul3A_56, %add3A_57 : i32
    %run_scoped3A_59 = arith.constant 2 : i32
    "tpu.region"() ({
      %run_scoped3A_227 = tpu.sem_alloc : memref<!tpu.dma_semaphore, #tpu.memory_space<semaphore_mem>>
      %dma_start3A_228 = arith.constant 640 : i32
      %dma_start3A_229 = tpu.memref_slice %arg5[%dma_start3A_228] : memref<768xi32, #tpu.memory_space<vmem>> -> memref<128xi32, #tpu.memory_space<vmem>>
      %dma_start3A_230 = arith.constant 0 : i32
      %dma_start3A_231 = tpu.memref_slice %arg3[%run_scoped3A_59, %add3A_58, %select_n3A, %dma_start3A_230] : memref<3x16x4x128xi32, #tpu.memory_space<hbm>> -> memref<1x1x1x128xi32, #tpu.memory_space<hbm>>
      %dma_start3A_232 = tpu.memref_squeeze %dma_start3A_231 : memref<1x1x1x128xi32, #tpu.memory_space<hbm>> -> memref<128xi32, #tpu.memory_space<hbm>>
      %dma_start3A_233 = arith.constant 640 : i32
      %dma_start3A_234 = tpu.memref_slice %arg5[%dma_start3A_233] : memref<768xi32, #tpu.memory_space<vmem>> -> memref<128xi32, #tpu.memory_space<vmem>>
      %dma_start3A_235 = arith.constant 0 : i32
      %dma_start3A_236 = tpu.memref_slice %arg3[%run_scoped3A_59, %add3A_58, %select_n3A, %dma_start3A_235] : memref<3x16x4x128xi32, #tpu.memory_space<hbm>> -> memref<1x1x1x128xi32, #tpu.memory_space<hbm>>
      %dma_start3A_237 = tpu.memref_squeeze %dma_start3A_236 : memref<1x1x1x128xi32, #tpu.memory_space<hbm>> -> memref<128xi32, #tpu.memory_space<hbm>>
      tpu.enqueue_dma source(%dma_start3A_237 : memref<128xi32, #tpu.memory_space<hbm>>) target(%dma_start3A_234 : memref<128xi32, #tpu.memory_space<vmem>>) target_semaphore(%run_scoped3A_227 : memref<!tpu.dma_semaphore, #tpu.memory_space<semaphore_mem>>)
      %dma_wait3A_238 = arith.constant 640 : i32
      %dma_wait3A_239 = tpu.memref_slice %arg5[%dma_wait3A_238] : memref<768xi32, #tpu.memory_space<vmem>> -> memref<128xi32, #tpu.memory_space<vmem>>
      %dma_wait3A_240 = arith.constant 0 : i32
      %dma_wait3A_241 = tpu.memref_slice %arg3[%run_scoped3A_59, %add3A_58, %select_n3A, %dma_wait3A_240] : memref<3x16x4x128xi32, #tpu.memory_space<hbm>> -> memref<1x1x1x128xi32, #tpu.memory_space<hbm>>
      %dma_wait3A_242 = tpu.memref_squeeze %dma_wait3A_241 : memref<1x1x1x128xi32, #tpu.memory_space<hbm>> -> memref<128xi32, #tpu.memory_space<hbm>>
      %dma_wait3A_243 = arith.constant 640 : i32
      %dma_wait3A_244 = tpu.memref_slice %arg5[%dma_wait3A_243] : memref<768xi32, #tpu.memory_space<vmem>> -> memref<128xi32, #tpu.memory_space<vmem>>
      %dma_wait3A_245 = arith.constant 0 : i32
      %dma_wait3A_246 = tpu.memref_slice %arg3[%run_scoped3A_59, %add3A_58, %select_n3A, %dma_wait3A_245] : memref<3x16x4x128xi32, #tpu.memory_space<hbm>> -> memref<1x1x1x128xi32, #tpu.memory_space<hbm>>
      %dma_wait3A_247 = tpu.memref_squeeze %dma_wait3A_246 : memref<1x1x1x128xi32, #tpu.memory_space<hbm>> -> memref<128xi32, #tpu.memory_space<hbm>>
      tpu.wait_dma2 semaphore(%run_scoped3A_227 : memref<!tpu.dma_semaphore, #tpu.memory_space<semaphore_mem>>) src(%dma_wait3A_247 : memref<128xi32, #tpu.memory_space<hbm>>) dst(%dma_wait3A_244 : memref<128xi32, #tpu.memory_space<vmem>>)
      tpu.yield
    }) : () -> ()
    %mul3A_60 = arith.constant 4096 : i32
    %mul3A_61 = arith.muli %select_n3A, %mul3A_60 : i32
    %broadcast_in_dim3A = vector.broadcast %mul3A_61 : i32 to vector<16xi32>
    %broadcast_in_dim3A_62 = arith.constant 8 : i32
    %broadcast_in_dim3A_63 = vector.broadcast %broadcast_in_dim3A_62 : i32 to vector<16xi32>
    %scan3A = arith.constant 0 : i32
    %scan3A_64 = arith.constant 0 : i32
    %scan3A_65 = arith.constant 48 : i32
    %scan3A_66 = arith.addi %scan3A_64, %scan3A_65 : i32
    %scan3A_67 = arith.constant 1 : i32
    %scan3A_68 = scf.for %scan3A_227 = %scan3A_64 to %scan3A_66 step %scan3A_67 iter_args(%scan3A_228 = %scan3A) -> (i32)  : i32 {
      %mul3A_229 = arith.constant 16 : i32
      %mul3A_230 = arith.muli %scan3A_227, %mul3A_229 : i32
      %get3A = arith.index_cast %mul3A_230 : i32 to index
      %get3A_231 = tpu.vector_load %arg5[%get3A] {strides = array<i32>} : memref<768xi32, #tpu.memory_space<vmem>>, vector<16xi32>,
      %add3A_232 = arith.addi %get3A_231, %broadcast_in_dim3A : vector<16xi32>
      %mul3A_233 = arith.muli %add3A_232, %broadcast_in_dim3A_63 : vector<16xi32>
      %mul3A_234 = arith.constant 16 : i32
      %mul3A_235 = arith.muli %scan3A_227, %mul3A_234 : i32
      %swap3A = arith.index_cast %mul3A_235 : i32 to index
      %swap3A_236 = tpu.vector_load %arg5[%swap3A] {strides = array<i32>} : memref<768xi32, #tpu.memory_space<vmem>>, vector<16xi32>,
      tpu.vector_store %arg5[%swap3A], %mul3A_233 {strides = array<i32>} : memref<768xi32, #tpu.memory_space<vmem>>, vector<16xi32>,
      %scan3A_237 = arith.constant 0 : i32
      scf.yield %scan3A_237 : i32
    }
    %scan3A_69 = arith.constant 48 : i32
    %dma_start3A = arith.constant 0 : i32
    %dma_start3A_70 = arith.constant 0 : i32
    %dma_start3A_71 = tpu.memref_slice %arg6[%dma_start3A, %dma_start3A_70] : memref<768x16xf32, #tpu.memory_space<vmem>> -> memref<128x16xf32, #tpu.memory_space<vmem>>
    %dma_start3A_72 = arith.constant 0 : i32
    %dma_start3A_73 = tpu.memref_slice %arg5[%dma_start3A_72] : memref<768xi32, #tpu.memory_space<vmem>> -> memref<128xi32, #tpu.memory_space<vmem>>
    %dma_start3A_74 = arith.constant 0 : i32
    %dma_start3A_75 = arith.constant 0 : i32
    %dma_start3A_76 = tpu.memref_slice %arg2[%dma_start3A_74, %dma_start3A_75] : memref<131072x16xf32, #tpu.memory_space<hbm>> -> memref<131072x16xf32, #tpu.memory_space<hbm>>
    tpu.enqueue_indirect_dma source(%dma_start3A_76 : memref<131072x16xf32, #tpu.memory_space<hbm>>) target(%dma_start3A_71 : memref<128x16xf32, #tpu.memory_space<vmem>>) offsets(%dma_start3A_73 : memref<128xi32, #tpu.memory_space<vmem>>) semaphore(%arg8 : memref<!tpu.dma_semaphore, #tpu.memory_space<semaphore_mem>>)
    %dma_start3A_77 = arith.constant 128 : i32
    %dma_start3A_78 = arith.constant 0 : i32
    %dma_start3A_79 = tpu.memref_slice %arg6[%dma_start3A_77, %dma_start3A_78] : memref<768x16xf32, #tpu.memory_space<vmem>> -> memref<128x16xf32, #tpu.memory_space<vmem>>
    %dma_start3A_80 = arith.constant 128 : i32
    %dma_start3A_81 = tpu.memref_slice %arg5[%dma_start3A_80] : memref<768xi32, #tpu.memory_space<vmem>> -> memref<128xi32, #tpu.memory_space<vmem>>
    %dma_start3A_82 = arith.constant 0 : i32
    %dma_start3A_83 = arith.constant 0 : i32
    %dma_start3A_84 = tpu.memref_slice %arg2[%dma_start3A_82, %dma_start3A_83] : memref<131072x16xf32, #tpu.memory_space<hbm>> -> memref<131072x16xf32, #tpu.memory_space<hbm>>
    tpu.enqueue_indirect_dma source(%dma_start3A_84 : memref<131072x16xf32, #tpu.memory_space<hbm>>) target(%dma_start3A_79 : memref<128x16xf32, #tpu.memory_space<vmem>>) offsets(%dma_start3A_81 : memref<128xi32, #tpu.memory_space<vmem>>) semaphore(%arg8 : memref<!tpu.dma_semaphore, #tpu.memory_space<semaphore_mem>>)
    %dma_start3A_85 = arith.constant 256 : i32
    %dma_start3A_86 = arith.constant 0 : i32
    %dma_start3A_87 = tpu.memref_slice %arg6[%dma_start3A_85, %dma_start3A_86] : memref<768x16xf32, #tpu.memory_space<vmem>> -> memref<128x16xf32, #tpu.memory_space<vmem>>
    %dma_start3A_88 = arith.constant 256 : i32
    %dma_start3A_89 = tpu.memref_slice %arg5[%dma_start3A_88] : memref<768xi32, #tpu.memory_space<vmem>> -> memref<128xi32, #tpu.memory_space<vmem>>
    %dma_start3A_90 = arith.constant 0 : i32
    %dma_start3A_91 = arith.constant 0 : i32
    %dma_start3A_92 = tpu.memref_slice %arg2[%dma_start3A_90, %dma_start3A_91] : memref<131072x16xf32, #tpu.memory_space<hbm>> -> memref<131072x16xf32, #tpu.memory_space<hbm>>
    tpu.enqueue_indirect_dma source(%dma_start3A_92 : memref<131072x16xf32, #tpu.memory_space<hbm>>) target(%dma_start3A_87 : memref<128x16xf32, #tpu.memory_space<vmem>>) offsets(%dma_start3A_89 : memref<128xi32, #tpu.memory_space<vmem>>) semaphore(%arg8 : memref<!tpu.dma_semaphore, #tpu.memory_space<semaphore_mem>>)
    %dma_start3A_93 = arith.constant 384 : i32
    %dma_start3A_94 = arith.constant 0 : i32
    %dma_start3A_95 = tpu.memref_slice %arg6[%dma_start3A_93, %dma_start3A_94] : memref<768x16xf32, #tpu.memory_space<vmem>> -> memref<128x16xf32, #tpu.memory_space<vmem>>
    %dma_start3A_96 = arith.constant 384 : i32
    %dma_start3A_97 = tpu.memref_slice %arg5[%dma_start3A_96] : memref<768xi32, #tpu.memory_space<vmem>> -> memref<128xi32, #tpu.memory_space<vmem>>
    %dma_start3A_98 = arith.constant 0 : i32
    %dma_start3A_99 = arith.constant 0 : i32
    %dma_start3A_100 = tpu.memref_slice %arg2[%dma_start3A_98, %dma_start3A_99] : memref<131072x16xf32, #tpu.memory_space<hbm>> -> memref<131072x16xf32, #tpu.memory_space<hbm>>
    tpu.enqueue_indirect_dma source(%dma_start3A_100 : memref<131072x16xf32, #tpu.memory_space<hbm>>) target(%dma_start3A_95 : memref<128x16xf32, #tpu.memory_space<vmem>>) offsets(%dma_start3A_97 : memref<128xi32, #tpu.memory_space<vmem>>) semaphore(%arg8 : memref<!tpu.dma_semaphore, #tpu.memory_space<semaphore_mem>>)
    %dma_start3A_101 = arith.constant 512 : i32
    %dma_start3A_102 = arith.constant 0 : i32
    %dma_start3A_103 = tpu.memref_slice %arg6[%dma_start3A_101, %dma_start3A_102] : memref<768x16xf32, #tpu.memory_space<vmem>> -> memref<128x16xf32, #tpu.memory_space<vmem>>
    %dma_start3A_104 = arith.constant 512 : i32
    %dma_start3A_105 = tpu.memref_slice %arg5[%dma_start3A_104] : memref<768xi32, #tpu.memory_space<vmem>> -> memref<128xi32, #tpu.memory_space<vmem>>
    %dma_start3A_106 = arith.constant 0 : i32
    %dma_start3A_107 = arith.constant 0 : i32
    %dma_start3A_108 = tpu.memref_slice %arg2[%dma_start3A_106, %dma_start3A_107] : memref<131072x16xf32, #tpu.memory_space<hbm>> -> memref<131072x16xf32, #tpu.memory_space<hbm>>
    tpu.enqueue_indirect_dma source(%dma_start3A_108 : memref<131072x16xf32, #tpu.memory_space<hbm>>) target(%dma_start3A_103 : memref<128x16xf32, #tpu.memory_space<vmem>>) offsets(%dma_start3A_105 : memref<128xi32, #tpu.memory_space<vmem>>) semaphore(%arg8 : memref<!tpu.dma_semaphore, #tpu.memory_space<semaphore_mem>>)
    %dma_start3A_109 = arith.constant 640 : i32
    %dma_start3A_110 = arith.constant 0 : i32
    %dma_start3A_111 = tpu.memref_slice %arg6[%dma_start3A_109, %dma_start3A_110] : memref<768x16xf32, #tpu.memory_space<vmem>> -> memref<128x16xf32, #tpu.memory_space<vmem>>
    %dma_start3A_112 = arith.constant 640 : i32
    %dma_start3A_113 = tpu.memref_slice %arg5[%dma_start3A_112] : memref<768xi32, #tpu.memory_space<vmem>> -> memref<128xi32, #tpu.memory_space<vmem>>
    %dma_start3A_114 = arith.constant 0 : i32
    %dma_start3A_115 = arith.constant 0 : i32
    %dma_start3A_116 = tpu.memref_slice %arg2[%dma_start3A_114, %dma_start3A_115] : memref<131072x16xf32, #tpu.memory_space<hbm>> -> memref<131072x16xf32, #tpu.memory_space<hbm>>
    tpu.enqueue_indirect_dma source(%dma_start3A_116 : memref<131072x16xf32, #tpu.memory_space<hbm>>) target(%dma_start3A_111 : memref<128x16xf32, #tpu.memory_space<vmem>>) offsets(%dma_start3A_113 : memref<128xi32, #tpu.memory_space<vmem>>) semaphore(%arg8 : memref<!tpu.dma_semaphore, #tpu.memory_space<semaphore_mem>>)
    %dma_wait3A = arith.constant 0 : i32
    %dma_wait3A_117 = arith.constant 0 : i32
    %dma_wait3A_118 = tpu.memref_slice %arg6[%dma_wait3A, %dma_wait3A_117] : memref<768x16xf32, #tpu.memory_space<vmem>> -> memref<128x16xf32, #tpu.memory_space<vmem>>
    %dma_wait3A_119 = arith.constant 0 : i32
    %dma_wait3A_120 = tpu.memref_slice %arg5[%dma_wait3A_119] : memref<768xi32, #tpu.memory_space<vmem>> -> memref<128xi32, #tpu.memory_space<vmem>>
    %dma_wait3A_121 = arith.constant 0 : i32
    %dma_wait3A_122 = arith.constant 0 : i32
    %dma_wait3A_123 = tpu.memref_slice %arg2[%dma_wait3A_121, %dma_wait3A_122] : memref<131072x16xf32, #tpu.memory_space<hbm>> -> memref<131072x16xf32, #tpu.memory_space<hbm>>
    tpu.wait_indirect_dma semaphore(%arg8 : memref<!tpu.dma_semaphore, #tpu.memory_space<semaphore_mem>>) src(%dma_wait3A_123 : memref<131072x16xf32, #tpu.memory_space<hbm>>) dst(%dma_wait3A_118 : memref<128x16xf32, #tpu.memory_space<vmem>>)
    %dma_wait3A_124 = arith.constant 128 : i32
    %dma_wait3A_125 = arith.constant 0 : i32
    %dma_wait3A_126 = tpu.memref_slice %arg6[%dma_wait3A_124, %dma_wait3A_125] : memref<768x16xf32, #tpu.memory_space<vmem>> -> memref<128x16xf32, #tpu.memory_space<vmem>>
    %dma_wait3A_127 = arith.constant 128 : i32
    %dma_wait3A_128 = tpu.memref_slice %arg5[%dma_wait3A_127] : memref<768xi32, #tpu.memory_space<vmem>> -> memref<128xi32, #tpu.memory_space<vmem>>
    %dma_wait3A_129 = arith.constant 0 : i32
    %dma_wait3A_130 = arith.constant 0 : i32
    %dma_wait3A_131 = tpu.memref_slice %arg2[%dma_wait3A_129, %dma_wait3A_130] : memref<131072x16xf32, #tpu.memory_space<hbm>> -> memref<131072x16xf32, #tpu.memory_space<hbm>>
    tpu.wait_indirect_dma semaphore(%arg8 : memref<!tpu.dma_semaphore, #tpu.memory_space<semaphore_mem>>) src(%dma_wait3A_131 : memref<131072x16xf32, #tpu.memory_space<hbm>>) dst(%dma_wait3A_126 : memref<128x16xf32, #tpu.memory_space<vmem>>)
    %dma_wait3A_132 = arith.constant 256 : i32
    %dma_wait3A_133 = arith.constant 0 : i32
    %dma_wait3A_134 = tpu.memref_slice %arg6[%dma_wait3A_132, %dma_wait3A_133] : memref<768x16xf32, #tpu.memory_space<vmem>> -> memref<128x16xf32, #tpu.memory_space<vmem>>
    %dma_wait3A_135 = arith.constant 256 : i32
    %dma_wait3A_136 = tpu.memref_slice %arg5[%dma_wait3A_135] : memref<768xi32, #tpu.memory_space<vmem>> -> memref<128xi32, #tpu.memory_space<vmem>>
    %dma_wait3A_137 = arith.constant 0 : i32
    %dma_wait3A_138 = arith.constant 0 : i32
    %dma_wait3A_139 = tpu.memref_slice %arg2[%dma_wait3A_137, %dma_wait3A_138] : memref<131072x16xf32, #tpu.memory_space<hbm>> -> memref<131072x16xf32, #tpu.memory_space<hbm>>
    tpu.wait_indirect_dma semaphore(%arg8 : memref<!tpu.dma_semaphore, #tpu.memory_space<semaphore_mem>>) src(%dma_wait3A_139 : memref<131072x16xf32, #tpu.memory_space<hbm>>) dst(%dma_wait3A_134 : memref<128x16xf32, #tpu.memory_space<vmem>>)
    %dma_wait3A_140 = arith.constant 384 : i32
    %dma_wait3A_141 = arith.constant 0 : i32
    %dma_wait3A_142 = tpu.memref_slice %arg6[%dma_wait3A_140, %dma_wait3A_141] : memref<768x16xf32, #tpu.memory_space<vmem>> -> memref<128x16xf32, #tpu.memory_space<vmem>>
    %dma_wait3A_143 = arith.constant 384 : i32
    %dma_wait3A_144 = tpu.memref_slice %arg5[%dma_wait3A_143] : memref<768xi32, #tpu.memory_space<vmem>> -> memref<128xi32, #tpu.memory_space<vmem>>
    %dma_wait3A_145 = arith.constant 0 : i32
    %dma_wait3A_146 = arith.constant 0 : i32
    %dma_wait3A_147 = tpu.memref_slice %arg2[%dma_wait3A_145, %dma_wait3A_146] : memref<131072x16xf32, #tpu.memory_space<hbm>> -> memref<131072x16xf32, #tpu.memory_space<hbm>>
    tpu.wait_indirect_dma semaphore(%arg8 : memref<!tpu.dma_semaphore, #tpu.memory_space<semaphore_mem>>) src(%dma_wait3A_147 : memref<131072x16xf32, #tpu.memory_space<hbm>>) dst(%dma_wait3A_142 : memref<128x16xf32, #tpu.memory_space<vmem>>)
    %dma_wait3A_148 = arith.constant 512 : i32
    %dma_wait3A_149 = arith.constant 0 : i32
    %dma_wait3A_150 = tpu.memref_slice %arg6[%dma_wait3A_148, %dma_wait3A_149] : memref<768x16xf32, #tpu.memory_space<vmem>> -> memref<128x16xf32, #tpu.memory_space<vmem>>
    %dma_wait3A_151 = arith.constant 512 : i32
    %dma_wait3A_152 = tpu.memref_slice %arg5[%dma_wait3A_151] : memref<768xi32, #tpu.memory_space<vmem>> -> memref<128xi32, #tpu.memory_space<vmem>>
    %dma_wait3A_153 = arith.constant 0 : i32
    %dma_wait3A_154 = arith.constant 0 : i32
    %dma_wait3A_155 = tpu.memref_slice %arg2[%dma_wait3A_153, %dma_wait3A_154] : memref<131072x16xf32, #tpu.memory_space<hbm>> -> memref<131072x16xf32, #tpu.memory_space<hbm>>
    tpu.wait_indirect_dma semaphore(%arg8 : memref<!tpu.dma_semaphore, #tpu.memory_space<semaphore_mem>>) src(%dma_wait3A_155 : memref<131072x16xf32, #tpu.memory_space<hbm>>) dst(%dma_wait3A_150 : memref<128x16xf32, #tpu.memory_space<vmem>>)
    %dma_wait3A_156 = arith.constant 640 : i32
    %dma_wait3A_157 = arith.constant 0 : i32
    %dma_wait3A_158 = tpu.memref_slice %arg6[%dma_wait3A_156, %dma_wait3A_157] : memref<768x16xf32, #tpu.memory_space<vmem>> -> memref<128x16xf32, #tpu.memory_space<vmem>>
    %dma_wait3A_159 = arith.constant 640 : i32
    %dma_wait3A_160 = tpu.memref_slice %arg5[%dma_wait3A_159] : memref<768xi32, #tpu.memory_space<vmem>> -> memref<128xi32, #tpu.memory_space<vmem>>
    %dma_wait3A_161 = arith.constant 0 : i32
    %dma_wait3A_162 = arith.constant 0 : i32
    %dma_wait3A_163 = tpu.memref_slice %arg2[%dma_wait3A_161, %dma_wait3A_162] : memref<131072x16xf32, #tpu.memory_space<hbm>> -> memref<131072x16xf32, #tpu.memory_space<hbm>>
    tpu.wait_indirect_dma semaphore(%arg8 : memref<!tpu.dma_semaphore, #tpu.memory_space<semaphore_mem>>) src(%dma_wait3A_163 : memref<131072x16xf32, #tpu.memory_space<hbm>>) dst(%dma_wait3A_158 : memref<128x16xf32, #tpu.memory_space<vmem>>)
    %iota3A = tpu.iota {dimensions = array<i32: 0>} : vector<16xi32>
    %broadcast_in_dim3A_164 = arith.constant 0 : i32
    %broadcast_in_dim3A_165 = vector.broadcast %broadcast_in_dim3A_164 : i32 to vector<16xi32>
    %scan3A_166 = arith.constant 0 : i32
    %scan3A_167 = arith.constant 0 : i32
    %scan3A_168 = arith.constant 16 : i32
    %scan3A_169 = arith.addi %scan3A_167, %scan3A_168 : i32
    %scan3A_170 = arith.constant 1 : i32
    %scan3A_171 = scf.for %scan3A_227 = %scan3A_167 to %scan3A_169 step %scan3A_170 iter_args(%scan3A_228 = %scan3A_166) -> (i32)  : i32 {
      %mul3A_229 = arith.constant 16 : i32
      %mul3A_230 = arith.muli %scan3A_227, %mul3A_229 : i32
      %add3A_231 = vector.broadcast %mul3A_230 : i32 to vector<16xi32>
      %add3A_232 = arith.addi %add3A_231, %iota3A : vector<16xi32>
      %gather3A = tpu.vector_load_idx %arg6[%add3A_232, %broadcast_in_dim3A_165] : memref<768x16xf32, #tpu.memory_space<vmem>>[vector<16xi32>, vector<16xi32>], vector<16xf32>,
      %add3A_233 = arith.constant 256 : i32
      %add3A_234 = vector.broadcast %add3A_233 : i32 to vector<16xi32>
      %add3A_235 = arith.addi %add3A_232, %add3A_234 : vector<16xi32>
      %gather3A_236 = tpu.vector_load_idx %arg6[%add3A_235, %broadcast_in_dim3A_165] : memref<768x16xf32, #tpu.memory_space<vmem>>[vector<16xi32>, vector<16xi32>], vector<16xf32>,
      %add3A_237 = arith.addf %gather3A, %gather3A_236 : vector<16xf32>
      %add3A_238 = arith.constant 512 : i32
      %add3A_239 = vector.broadcast %add3A_238 : i32 to vector<16xi32>
      %add3A_240 = arith.addi %add3A_232, %add3A_239 : vector<16xi32>
      %gather3A_241 = tpu.vector_load_idx %arg6[%add3A_240, %broadcast_in_dim3A_165] : memref<768x16xf32, #tpu.memory_space<vmem>>[vector<16xi32>, vector<16xi32>], vector<16xf32>,
      %add3A_242 = arith.addf %add3A_237, %gather3A_241 : vector<16xf32>
      %mul3A_243 = arith.constant 16 : i32
      %mul3A_244 = arith.muli %scan3A_227, %mul3A_243 : i32
      %swap3A = arith.constant 0 : i32
      %swap3A_245 = arith.index_cast %swap3A : i32 to index
      %swap3A_246 = arith.index_cast %mul3A_244 : i32 to index
      %swap3A_247 = tpu.vector_load %arg7[%swap3A_245, %swap3A_246] {strides = array<i32>} : memref<3x256xf32, #tpu.memory_space<vmem>>, vector<16xf32>,
      tpu.vector_store %arg7[%swap3A_245, %swap3A_246], %add3A_242 {strides = array<i32>} : memref<3x256xf32, #tpu.memory_space<vmem>>, vector<16xf32>,
      %scan3A_248 = arith.constant 0 : i32
      scf.yield %scan3A_248 : i32
    }
    %scan3A_172 = arith.constant 16 : i32
    %broadcast_in_dim3A_173 = arith.constant 1 : i32
    %broadcast_in_dim3A_174 = vector.broadcast %broadcast_in_dim3A_173 : i32 to vector<16xi32>
    %scan3A_175 = arith.constant 0 : i32
    %scan3A_176 = arith.constant 0 : i32
    %scan3A_177 = arith.constant 16 : i32
    %scan3A_178 = arith.addi %scan3A_176, %scan3A_177 : i32
    %scan3A_179 = arith.constant 1 : i32
    %scan3A_180 = scf.for %scan3A_227 = %scan3A_176 to %scan3A_178 step %scan3A_179 iter_args(%scan3A_228 = %scan3A_175) -> (i32)  : i32 {
      %mul3A_229 = arith.constant 16 : i32
      %mul3A_230 = arith.muli %scan3A_227, %mul3A_229 : i32
      %add3A_231 = vector.broadcast %mul3A_230 : i32 to vector<16xi32>
      %add3A_232 = arith.addi %add3A_231, %iota3A : vector<16xi32>
      %gather3A = tpu.vector_load_idx %arg6[%add3A_232, %broadcast_in_dim3A_174] : memref<768x16xf32, #tpu.memory_space<vmem>>[vector<16xi32>, vector<16xi32>], vector<16xf32>,
      %add3A_233 = arith.constant 256 : i32
      %add3A_234 = vector.broadcast %add3A_233 : i32 to vector<16xi32>
      %add3A_235 = arith.addi %add3A_232, %add3A_234 : vector<16xi32>
      %gather3A_236 = tpu.vector_load_idx %arg6[%add3A_235, %broadcast_in_dim3A_174] : memref<768x16xf32, #tpu.memory_space<vmem>>[vector<16xi32>, vector<16xi32>], vector<16xf32>,
      %add3A_237 = arith.addf %gather3A, %gather3A_236 : vector<16xf32>
      %add3A_238 = arith.constant 512 : i32
      %add3A_239 = vector.broadcast %add3A_238 : i32 to vector<16xi32>
      %add3A_240 = arith.addi %add3A_232, %add3A_239 : vector<16xi32>
      %gather3A_241 = tpu.vector_load_idx %arg6[%add3A_240, %broadcast_in_dim3A_174] : memref<768x16xf32, #tpu.memory_space<vmem>>[vector<16xi32>, vector<16xi32>], vector<16xf32>,
      %add3A_242 = arith.addf %add3A_237, %gather3A_241 : vector<16xf32>
      %mul3A_243 = arith.constant 16 : i32
      %mul3A_244 = arith.muli %scan3A_227, %mul3A_243 : i32
      %swap3A = arith.constant 1 : i32
      %swap3A_245 = arith.index_cast %swap3A : i32 to index
      %swap3A_246 = arith.index_cast %mul3A_244 : i32 to index
      %swap3A_247 = tpu.vector_load %arg7[%swap3A_245, %swap3A_246] {strides = array<i32>} : memref<3x256xf32, #tpu.memory_space<vmem>>, vector<16xf32>,
      tpu.vector_store %arg7[%swap3A_245, %swap3A_246], %add3A_242 {strides = array<i32>} : memref<3x256xf32, #tpu.memory_space<vmem>>, vector<16xf32>,
      %scan3A_248 = arith.constant 0 : i32
      scf.yield %scan3A_248 : i32
    }
    %scan3A_181 = arith.constant 16 : i32
    %broadcast_in_dim3A_182 = arith.constant 2 : i32
    %broadcast_in_dim3A_183 = vector.broadcast %broadcast_in_dim3A_182 : i32 to vector<16xi32>
    %scan3A_184 = arith.constant 0 : i32
    %scan3A_185 = arith.constant 0 : i32
    %scan3A_186 = arith.constant 16 : i32
    %scan3A_187 = arith.addi %scan3A_185, %scan3A_186 : i32
    %scan3A_188 = arith.constant 1 : i32
    %scan3A_189 = scf.for %scan3A_227 = %scan3A_185 to %scan3A_187 step %scan3A_188 iter_args(%scan3A_228 = %scan3A_184) -> (i32)  : i32 {
      %mul3A_229 = arith.constant 16 : i32
      %mul3A_230 = arith.muli %scan3A_227, %mul3A_229 : i32
      %add3A_231 = vector.broadcast %mul3A_230 : i32 to vector<16xi32>
      %add3A_232 = arith.addi %add3A_231, %iota3A : vector<16xi32>
      %gather3A = tpu.vector_load_idx %arg6[%add3A_232, %broadcast_in_dim3A_183] : memref<768x16xf32, #tpu.memory_space<vmem>>[vector<16xi32>, vector<16xi32>], vector<16xf32>,
      %add3A_233 = arith.constant 256 : i32
      %add3A_234 = vector.broadcast %add3A_233 : i32 to vector<16xi32>
      %add3A_235 = arith.addi %add3A_232, %add3A_234 : vector<16xi32>
      %gather3A_236 = tpu.vector_load_idx %arg6[%add3A_235, %broadcast_in_dim3A_183] : memref<768x16xf32, #tpu.memory_space<vmem>>[vector<16xi32>, vector<16xi32>], vector<16xf32>,
      %add3A_237 = arith.addf %gather3A, %gather3A_236 : vector<16xf32>
      %add3A_238 = arith.constant 512 : i32
      %add3A_239 = vector.broadcast %add3A_238 : i32 to vector<16xi32>
      %add3A_240 = arith.addi %add3A_232, %add3A_239 : vector<16xi32>
      %gather3A_241 = tpu.vector_load_idx %arg6[%add3A_240, %broadcast_in_dim3A_183] : memref<768x16xf32, #tpu.memory_space<vmem>>[vector<16xi32>, vector<16xi32>], vector<16xf32>,
      %add3A_242 = arith.addf %add3A_237, %gather3A_241 : vector<16xf32>
      %mul3A_243 = arith.constant 16 : i32
      %mul3A_244 = arith.muli %scan3A_227, %mul3A_243 : i32
      %swap3A = arith.constant 2 : i32
      %swap3A_245 = arith.index_cast %swap3A : i32 to index
      %swap3A_246 = arith.index_cast %mul3A_244 : i32 to index
      %swap3A_247 = tpu.vector_load %arg7[%swap3A_245, %swap3A_246] {strides = array<i32>} : memref<3x256xf32, #tpu.memory_space<vmem>>, vector<16xf32>,
      tpu.vector_store %arg7[%swap3A_245, %swap3A_246], %add3A_242 {strides = array<i32>} : memref<3x256xf32, #tpu.memory_space<vmem>>, vector<16xf32>,
      %scan3A_248 = arith.constant 0 : i32
      scf.yield %scan3A_248 : i32
    }
    %scan3A_190 = arith.constant 16 : i32
    %mul3A_191 = arith.constant 2 : i32
    %mul3A_192 = arith.muli %select_n3A_30, %mul3A_191 : i32
    %add3A_193 = arith.constant 0 : i32
    %add3A_194 = arith.addi %mul3A_192, %add3A_193 : i32
    %run_scoped3A_195 = arith.constant 0 : i32
    %run_scoped3A_196 = arith.constant 0 : i32
    "tpu.region"() ({
      %run_scoped3A_227 = tpu.sem_alloc : memref<!tpu.dma_semaphore, #tpu.memory_space<semaphore_mem>>
      %dma_start3A_228 = arith.constant 0 : i32
      %dma_start3A_229 = tpu.memref_slice %arg7[%run_scoped3A_195, %dma_start3A_228] : memref<3x256xf32, #tpu.memory_space<vmem>> -> memref<1x128xf32, #tpu.memory_space<vmem>>
      %dma_start3A_230 = tpu.memref_squeeze %dma_start3A_229 : memref<1x128xf32, #tpu.memory_space<vmem>> -> memref<128xf32, #tpu.memory_space<vmem>>
      %dma_start3A_231 = arith.constant 0 : i32
      %dma_start3A_232 = tpu.memref_slice %arg4[%run_scoped3A_196, %add3A_194, %select_n3A, %dma_start3A_231] : memref<3x16x4x128xf32, #tpu.memory_space<hbm>> -> memref<1x1x1x128xf32, #tpu.memory_space<hbm>>
      %dma_start3A_233 = tpu.memref_squeeze %dma_start3A_232 : memref<1x1x1x128xf32, #tpu.memory_space<hbm>> -> memref<128xf32, #tpu.memory_space<hbm>>
      %dma_start3A_234 = arith.constant 0 : i32
      %dma_start3A_235 = tpu.memref_slice %arg4[%run_scoped3A_196, %add3A_194, %select_n3A, %dma_start3A_234] : memref<3x16x4x128xf32, #tpu.memory_space<hbm>> -> memref<1x1x1x128xf32, #tpu.memory_space<hbm>>
      %dma_start3A_236 = tpu.memref_squeeze %dma_start3A_235 : memref<1x1x1x128xf32, #tpu.memory_space<hbm>> -> memref<128xf32, #tpu.memory_space<hbm>>
      %dma_start3A_237 = arith.constant 0 : i32
      %dma_start3A_238 = tpu.memref_slice %arg7[%run_scoped3A_195, %dma_start3A_237] : memref<3x256xf32, #tpu.memory_space<vmem>> -> memref<1x128xf32, #tpu.memory_space<vmem>>
      %dma_start3A_239 = tpu.memref_squeeze %dma_start3A_238 : memref<1x128xf32, #tpu.memory_space<vmem>> -> memref<128xf32, #tpu.memory_space<vmem>>
      tpu.enqueue_dma source(%dma_start3A_239 : memref<128xf32, #tpu.memory_space<vmem>>) target(%dma_start3A_236 : memref<128xf32, #tpu.memory_space<hbm>>) target_semaphore(%run_scoped3A_227 : memref<!tpu.dma_semaphore, #tpu.memory_space<semaphore_mem>>)
      %dma_wait3A_240 = arith.constant 0 : i32
      %dma_wait3A_241 = tpu.memref_slice %arg7[%run_scoped3A_195, %dma_wait3A_240] : memref<3x256xf32, #tpu.memory_space<vmem>> -> memref<1x128xf32, #tpu.memory_space<vmem>>
      %dma_wait3A_242 = tpu.memref_squeeze %dma_wait3A_241 : memref<1x128xf32, #tpu.memory_space<vmem>> -> memref<128xf32, #tpu.memory_space<vmem>>
      %dma_wait3A_243 = arith.constant 0 : i32
      %dma_wait3A_244 = tpu.memref_slice %arg4[%run_scoped3A_196, %add3A_194, %select_n3A, %dma_wait3A_243] : memref<3x16x4x128xf32, #tpu.memory_space<hbm>> -> memref<1x1x1x128xf32, #tpu.memory_space<hbm>>
      %dma_wait3A_245 = tpu.memref_squeeze %dma_wait3A_244 : memref<1x1x1x128xf32, #tpu.memory_space<hbm>> -> memref<128xf32, #tpu.memory_space<hbm>>
      %dma_wait3A_246 = arith.constant 0 : i32
      %dma_wait3A_247 = tpu.memref_slice %arg4[%run_scoped3A_196, %add3A_194, %select_n3A, %dma_wait3A_246] : memref<3x16x4x128xf32, #tpu.memory_space<hbm>> -> memref<1x1x1x128xf32, #tpu.memory_space<hbm>>
      %dma_wait3A_248 = tpu.memref_squeeze %dma_wait3A_247 : memref<1x1x1x128xf32, #tpu.memory_space<hbm>> -> memref<128xf32, #tpu.memory_space<hbm>>
      %dma_wait3A_249 = arith.constant 0 : i32
      %dma_wait3A_250 = tpu.memref_slice %arg7[%run_scoped3A_195, %dma_wait3A_249] : memref<3x256xf32, #tpu.memory_space<vmem>> -> memref<1x128xf32, #tpu.memory_space<vmem>>
      %dma_wait3A_251 = tpu.memref_squeeze %dma_wait3A_250 : memref<1x128xf32, #tpu.memory_space<vmem>> -> memref<128xf32, #tpu.memory_space<vmem>>
      tpu.wait_dma2 semaphore(%run_scoped3A_227 : memref<!tpu.dma_semaphore, #tpu.memory_space<semaphore_mem>>) src(%dma_wait3A_251 : memref<128xf32, #tpu.memory_space<vmem>>) dst(%dma_wait3A_248 : memref<128xf32, #tpu.memory_space<hbm>>)
      tpu.yield
    }) : () -> ()
    %mul3A_197 = arith.constant 2 : i32
    %mul3A_198 = arith.muli %select_n3A_30, %mul3A_197 : i32
    %add3A_199 = arith.constant 1 : i32
    %add3A_200 = arith.addi %mul3A_198, %add3A_199 : i32
    %run_scoped3A_201 = arith.constant 0 : i32
    %run_scoped3A_202 = arith.constant 0 : i32
    "tpu.region"() ({
      %run_scoped3A_227 = tpu.sem_alloc : memref<!tpu.dma_semaphore, #tpu.memory_space<semaphore_mem>>
      %dma_start3A_228 = arith.constant 128 : i32
      %dma_start3A_229 = tpu.memref_slice %arg7[%run_scoped3A_201, %dma_start3A_228] : memref<3x256xf32, #tpu.memory_space<vmem>> -> memref<1x128xf32, #tpu.memory_space<vmem>>
      %dma_start3A_230 = tpu.memref_squeeze %dma_start3A_229 : memref<1x128xf32, #tpu.memory_space<vmem>> -> memref<128xf32, #tpu.memory_space<vmem>>
      %dma_start3A_231 = arith.constant 0 : i32
      %dma_start3A_232 = tpu.memref_slice %arg4[%run_scoped3A_202, %add3A_200, %select_n3A, %dma_start3A_231] : memref<3x16x4x128xf32, #tpu.memory_space<hbm>> -> memref<1x1x1x128xf32, #tpu.memory_space<hbm>>
      %dma_start3A_233 = tpu.memref_squeeze %dma_start3A_232 : memref<1x1x1x128xf32, #tpu.memory_space<hbm>> -> memref<128xf32, #tpu.memory_space<hbm>>
      %dma_start3A_234 = arith.constant 0 : i32
      %dma_start3A_235 = tpu.memref_slice %arg4[%run_scoped3A_202, %add3A_200, %select_n3A, %dma_start3A_234] : memref<3x16x4x128xf32, #tpu.memory_space<hbm>> -> memref<1x1x1x128xf32, #tpu.memory_space<hbm>>
      %dma_start3A_236 = tpu.memref_squeeze %dma_start3A_235 : memref<1x1x1x128xf32, #tpu.memory_space<hbm>> -> memref<128xf32, #tpu.memory_space<hbm>>
      %dma_start3A_237 = arith.constant 128 : i32
      %dma_start3A_238 = tpu.memref_slice %arg7[%run_scoped3A_201, %dma_start3A_237] : memref<3x256xf32, #tpu.memory_space<vmem>> -> memref<1x128xf32, #tpu.memory_space<vmem>>
      %dma_start3A_239 = tpu.memref_squeeze %dma_start3A_238 : memref<1x128xf32, #tpu.memory_space<vmem>> -> memref<128xf32, #tpu.memory_space<vmem>>
      tpu.enqueue_dma source(%dma_start3A_239 : memref<128xf32, #tpu.memory_space<vmem>>) target(%dma_start3A_236 : memref<128xf32, #tpu.memory_space<hbm>>) target_semaphore(%run_scoped3A_227 : memref<!tpu.dma_semaphore, #tpu.memory_space<semaphore_mem>>)
      %dma_wait3A_240 = arith.constant 128 : i32
      %dma_wait3A_241 = tpu.memref_slice %arg7[%run_scoped3A_201, %dma_wait3A_240] : memref<3x256xf32, #tpu.memory_space<vmem>> -> memref<1x128xf32, #tpu.memory_space<vmem>>
      %dma_wait3A_242 = tpu.memref_squeeze %dma_wait3A_241 : memref<1x128xf32, #tpu.memory_space<vmem>> -> memref<128xf32, #tpu.memory_space<vmem>>
      %dma_wait3A_243 = arith.constant 0 : i32
      %dma_wait3A_244 = tpu.memref_slice %arg4[%run_scoped3A_202, %add3A_200, %select_n3A, %dma_wait3A_243] : memref<3x16x4x128xf32, #tpu.memory_space<hbm>> -> memref<1x1x1x128xf32, #tpu.memory_space<hbm>>
      %dma_wait3A_245 = tpu.memref_squeeze %dma_wait3A_244 : memref<1x1x1x128xf32, #tpu.memory_space<hbm>> -> memref<128xf32, #tpu.memory_space<hbm>>
      %dma_wait3A_246 = arith.constant 0 : i32
      %dma_wait3A_247 = tpu.memref_slice %arg4[%run_scoped3A_202, %add3A_200, %select_n3A, %dma_wait3A_246] : memref<3x16x4x128xf32, #tpu.memory_space<hbm>> -> memref<1x1x1x128xf32, #tpu.memory_space<hbm>>
      %dma_wait3A_248 = tpu.memref_squeeze %dma_wait3A_247 : memref<1x1x1x128xf32, #tpu.memory_space<hbm>> -> memref<128xf32, #tpu.memory_space<hbm>>
      %dma_wait3A_249 = arith.constant 128 : i32
      %dma_wait3A_250 = tpu.memref_slice %arg7[%run_scoped3A_201, %dma_wait3A_249] : memref<3x256xf32, #tpu.memory_space<vmem>> -> memref<1x128xf32, #tpu.memory_space<vmem>>
      %dma_wait3A_251 = tpu.memref_squeeze %dma_wait3A_250 : memref<1x128xf32, #tpu.memory_space<vmem>> -> memref<128xf32, #tpu.memory_space<vmem>>
      tpu.wait_dma2 semaphore(%run_scoped3A_227 : memref<!tpu.dma_semaphore, #tpu.memory_space<semaphore_mem>>) src(%dma_wait3A_251 : memref<128xf32, #tpu.memory_space<vmem>>) dst(%dma_wait3A_248 : memref<128xf32, #tpu.memory_space<hbm>>)
      tpu.yield
    }) : () -> ()
    %mul3A_203 = arith.constant 2 : i32
    %mul3A_204 = arith.muli %select_n3A_30, %mul3A_203 : i32
    %add3A_205 = arith.constant 0 : i32
    %add3A_206 = arith.addi %mul3A_204, %add3A_205 : i32
    %run_scoped3A_207 = arith.constant 1 : i32
    %run_scoped3A_208 = arith.constant 1 : i32
    "tpu.region"() ({
      %run_scoped3A_227 = tpu.sem_alloc : memref<!tpu.dma_semaphore, #tpu.memory_space<semaphore_mem>>
      %dma_start3A_228 = arith.constant 0 : i32
      %dma_start3A_229 = tpu.memref_slice %arg7[%run_scoped3A_207, %dma_start3A_228] : memref<3x256xf32, #tpu.memory_space<vmem>> -> memref<1x128xf32, #tpu.memory_space<vmem>>
      %dma_start3A_230 = tpu.memref_squeeze %dma_start3A_229 : memref<1x128xf32, #tpu.memory_space<vmem>> -> memref<128xf32, #tpu.memory_space<vmem>>
      %dma_start3A_231 = arith.constant 0 : i32
      %dma_start3A_232 = tpu.memref_slice %arg4[%run_scoped3A_208, %add3A_206, %select_n3A, %dma_start3A_231] : memref<3x16x4x128xf32, #tpu.memory_space<hbm>> -> memref<1x1x1x128xf32, #tpu.memory_space<hbm>>
      %dma_start3A_233 = tpu.memref_squeeze %dma_start3A_232 : memref<1x1x1x128xf32, #tpu.memory_space<hbm>> -> memref<128xf32, #tpu.memory_space<hbm>>
      %dma_start3A_234 = arith.constant 0 : i32
      %dma_start3A_235 = tpu.memref_slice %arg4[%run_scoped3A_208, %add3A_206, %select_n3A, %dma_start3A_234] : memref<3x16x4x128xf32, #tpu.memory_space<hbm>> -> memref<1x1x1x128xf32, #tpu.memory_space<hbm>>
      %dma_start3A_236 = tpu.memref_squeeze %dma_start3A_235 : memref<1x1x1x128xf32, #tpu.memory_space<hbm>> -> memref<128xf32, #tpu.memory_space<hbm>>
      %dma_start3A_237 = arith.constant 0 : i32
      %dma_start3A_238 = tpu.memref_slice %arg7[%run_scoped3A_207, %dma_start3A_237] : memref<3x256xf32, #tpu.memory_space<vmem>> -> memref<1x128xf32, #tpu.memory_space<vmem>>
      %dma_start3A_239 = tpu.memref_squeeze %dma_start3A_238 : memref<1x128xf32, #tpu.memory_space<vmem>> -> memref<128xf32, #tpu.memory_space<vmem>>
      tpu.enqueue_dma source(%dma_start3A_239 : memref<128xf32, #tpu.memory_space<vmem>>) target(%dma_start3A_236 : memref<128xf32, #tpu.memory_space<hbm>>) target_semaphore(%run_scoped3A_227 : memref<!tpu.dma_semaphore, #tpu.memory_space<semaphore_mem>>)
      %dma_wait3A_240 = arith.constant 0 : i32
      %dma_wait3A_241 = tpu.memref_slice %arg7[%run_scoped3A_207, %dma_wait3A_240] : memref<3x256xf32, #tpu.memory_space<vmem>> -> memref<1x128xf32, #tpu.memory_space<vmem>>
      %dma_wait3A_242 = tpu.memref_squeeze %dma_wait3A_241 : memref<1x128xf32, #tpu.memory_space<vmem>> -> memref<128xf32, #tpu.memory_space<vmem>>
      %dma_wait3A_243 = arith.constant 0 : i32
      %dma_wait3A_244 = tpu.memref_slice %arg4[%run_scoped3A_208, %add3A_206, %select_n3A, %dma_wait3A_243] : memref<3x16x4x128xf32, #tpu.memory_space<hbm>> -> memref<1x1x1x128xf32, #tpu.memory_space<hbm>>
      %dma_wait3A_245 = tpu.memref_squeeze %dma_wait3A_244 : memref<1x1x1x128xf32, #tpu.memory_space<hbm>> -> memref<128xf32, #tpu.memory_space<hbm>>
      %dma_wait3A_246 = arith.constant 0 : i32
      %dma_wait3A_247 = tpu.memref_slice %arg4[%run_scoped3A_208, %add3A_206, %select_n3A, %dma_wait3A_246] : memref<3x16x4x128xf32, #tpu.memory_space<hbm>> -> memref<1x1x1x128xf32, #tpu.memory_space<hbm>>
      %dma_wait3A_248 = tpu.memref_squeeze %dma_wait3A_247 : memref<1x1x1x128xf32, #tpu.memory_space<hbm>> -> memref<128xf32, #tpu.memory_space<hbm>>
      %dma_wait3A_249 = arith.constant 0 : i32
      %dma_wait3A_250 = tpu.memref_slice %arg7[%run_scoped3A_207, %dma_wait3A_249] : memref<3x256xf32, #tpu.memory_space<vmem>> -> memref<1x128xf32, #tpu.memory_space<vmem>>
      %dma_wait3A_251 = tpu.memref_squeeze %dma_wait3A_250 : memref<1x128xf32, #tpu.memory_space<vmem>> -> memref<128xf32, #tpu.memory_space<vmem>>
      tpu.wait_dma2 semaphore(%run_scoped3A_227 : memref<!tpu.dma_semaphore, #tpu.memory_space<semaphore_mem>>) src(%dma_wait3A_251 : memref<128xf32, #tpu.memory_space<vmem>>) dst(%dma_wait3A_248 : memref<128xf32, #tpu.memory_space<hbm>>)
      tpu.yield
    }) : () -> ()
    %mul3A_209 = arith.constant 2 : i32
    %mul3A_210 = arith.muli %select_n3A_30, %mul3A_209 : i32
    %add3A_211 = arith.constant 1 : i32
    %add3A_212 = arith.addi %mul3A_210, %add3A_211 : i32
    %run_scoped3A_213 = arith.constant 1 : i32
    %run_scoped3A_214 = arith.constant 1 : i32
    "tpu.region"() ({
      %run_scoped3A_227 = tpu.sem_alloc : memref<!tpu.dma_semaphore, #tpu.memory_space<semaphore_mem>>
      %dma_start3A_228 = arith.constant 128 : i32
      %dma_start3A_229 = tpu.memref_slice %arg7[%run_scoped3A_213, %dma_start3A_228] : memref<3x256xf32, #tpu.memory_space<vmem>> -> memref<1x128xf32, #tpu.memory_space<vmem>>
      %dma_start3A_230 = tpu.memref_squeeze %dma_start3A_229 : memref<1x128xf32, #tpu.memory_space<vmem>> -> memref<128xf32, #tpu.memory_space<vmem>>
      %dma_start3A_231 = arith.constant 0 : i32
      %dma_start3A_232 = tpu.memref_slice %arg4[%run_scoped3A_214, %add3A_212, %select_n3A, %dma_start3A_231] : memref<3x16x4x128xf32, #tpu.memory_space<hbm>> -> memref<1x1x1x128xf32, #tpu.memory_space<hbm>>
      %dma_start3A_233 = tpu.memref_squeeze %dma_start3A_232 : memref<1x1x1x128xf32, #tpu.memory_space<hbm>> -> memref<128xf32, #tpu.memory_space<hbm>>
      %dma_start3A_234 = arith.constant 0 : i32
      %dma_start3A_235 = tpu.memref_slice %arg4[%run_scoped3A_214, %add3A_212, %select_n3A, %dma_start3A_234] : memref<3x16x4x128xf32, #tpu.memory_space<hbm>> -> memref<1x1x1x128xf32, #tpu.memory_space<hbm>>
      %dma_start3A_236 = tpu.memref_squeeze %dma_start3A_235 : memref<1x1x1x128xf32, #tpu.memory_space<hbm>> -> memref<128xf32, #tpu.memory_space<hbm>>
      %dma_start3A_237 = arith.constant 128 : i32
      %dma_start3A_238 = tpu.memref_slice %arg7[%run_scoped3A_213, %dma_start3A_237] : memref<3x256xf32, #tpu.memory_space<vmem>> -> memref<1x128xf32, #tpu.memory_space<vmem>>
      %dma_start3A_239 = tpu.memref_squeeze %dma_start3A_238 : memref<1x128xf32, #tpu.memory_space<vmem>> -> memref<128xf32, #tpu.memory_space<vmem>>
      tpu.enqueue_dma source(%dma_start3A_239 : memref<128xf32, #tpu.memory_space<vmem>>) target(%dma_start3A_236 : memref<128xf32, #tpu.memory_space<hbm>>) target_semaphore(%run_scoped3A_227 : memref<!tpu.dma_semaphore, #tpu.memory_space<semaphore_mem>>)
      %dma_wait3A_240 = arith.constant 128 : i32
      %dma_wait3A_241 = tpu.memref_slice %arg7[%run_scoped3A_213, %dma_wait3A_240] : memref<3x256xf32, #tpu.memory_space<vmem>> -> memref<1x128xf32, #tpu.memory_space<vmem>>
      %dma_wait3A_242 = tpu.memref_squeeze %dma_wait3A_241 : memref<1x128xf32, #tpu.memory_space<vmem>> -> memref<128xf32, #tpu.memory_space<vmem>>
      %dma_wait3A_243 = arith.constant 0 : i32
      %dma_wait3A_244 = tpu.memref_slice %arg4[%run_scoped3A_214, %add3A_212, %select_n3A, %dma_wait3A_243] : memref<3x16x4x128xf32, #tpu.memory_space<hbm>> -> memref<1x1x1x128xf32, #tpu.memory_space<hbm>>
      %dma_wait3A_245 = tpu.memref_squeeze %dma_wait3A_244 : memref<1x1x1x128xf32, #tpu.memory_space<hbm>> -> memref<128xf32, #tpu.memory_space<hbm>>
      %dma_wait3A_246 = arith.constant 0 : i32
      %dma_wait3A_247 = tpu.memref_slice %arg4[%run_scoped3A_214, %add3A_212, %select_n3A, %dma_wait3A_246] : memref<3x16x4x128xf32, #tpu.memory_space<hbm>> -> memref<1x1x1x128xf32, #tpu.memory_space<hbm>>
      %dma_wait3A_248 = tpu.memref_squeeze %dma_wait3A_247 : memref<1x1x1x128xf32, #tpu.memory_space<hbm>> -> memref<128xf32, #tpu.memory_space<hbm>>
      %dma_wait3A_249 = arith.constant 128 : i32
      %dma_wait3A_250 = tpu.memref_slice %arg7[%run_scoped3A_213, %dma_wait3A_249] : memref<3x256xf32, #tpu.memory_space<vmem>> -> memref<1x128xf32, #tpu.memory_space<vmem>>
      %dma_wait3A_251 = tpu.memref_squeeze %dma_wait3A_250 : memref<1x128xf32, #tpu.memory_space<vmem>> -> memref<128xf32, #tpu.memory_space<vmem>>
      tpu.wait_dma2 semaphore(%run_scoped3A_227 : memref<!tpu.dma_semaphore, #tpu.memory_space<semaphore_mem>>) src(%dma_wait3A_251 : memref<128xf32, #tpu.memory_space<vmem>>) dst(%dma_wait3A_248 : memref<128xf32, #tpu.memory_space<hbm>>)
      tpu.yield
    }) : () -> ()
    %mul3A_215 = arith.constant 2 : i32
    %mul3A_216 = arith.muli %select_n3A_30, %mul3A_215 : i32
    %add3A_217 = arith.constant 0 : i32
    %add3A_218 = arith.addi %mul3A_216, %add3A_217 : i32
    %run_scoped3A_219 = arith.constant 2 : i32
    %run_scoped3A_220 = arith.constant 2 : i32
    "tpu.region"() ({
      %run_scoped3A_227 = tpu.sem_alloc : memref<!tpu.dma_semaphore, #tpu.memory_space<semaphore_mem>>
      %dma_start3A_228 = arith.constant 0 : i32
      %dma_start3A_229 = tpu.memref_slice %arg7[%run_scoped3A_219, %dma_start3A_228] : memref<3x256xf32, #tpu.memory_space<vmem>> -> memref<1x128xf32, #tpu.memory_space<vmem>>
      %dma_start3A_230 = tpu.memref_squeeze %dma_start3A_229 : memref<1x128xf32, #tpu.memory_space<vmem>> -> memref<128xf32, #tpu.memory_space<vmem>>
      %dma_start3A_231 = arith.constant 0 : i32
      %dma_start3A_232 = tpu.memref_slice %arg4[%run_scoped3A_220, %add3A_218, %select_n3A, %dma_start3A_231] : memref<3x16x4x128xf32, #tpu.memory_space<hbm>> -> memref<1x1x1x128xf32, #tpu.memory_space<hbm>>
      %dma_start3A_233 = tpu.memref_squeeze %dma_start3A_232 : memref<1x1x1x128xf32, #tpu.memory_space<hbm>> -> memref<128xf32, #tpu.memory_space<hbm>>
      %dma_start3A_234 = arith.constant 0 : i32
      %dma_start3A_235 = tpu.memref_slice %arg4[%run_scoped3A_220, %add3A_218, %select_n3A, %dma_start3A_234] : memref<3x16x4x128xf32, #tpu.memory_space<hbm>> -> memref<1x1x1x128xf32, #tpu.memory_space<hbm>>
      %dma_start3A_236 = tpu.memref_squeeze %dma_start3A_235 : memref<1x1x1x128xf32, #tpu.memory_space<hbm>> -> memref<128xf32, #tpu.memory_space<hbm>>
      %dma_start3A_237 = arith.constant 0 : i32
      %dma_start3A_238 = tpu.memref_slice %arg7[%run_scoped3A_219, %dma_start3A_237] : memref<3x256xf32, #tpu.memory_space<vmem>> -> memref<1x128xf32, #tpu.memory_space<vmem>>
      %dma_start3A_239 = tpu.memref_squeeze %dma_start3A_238 : memref<1x128xf32, #tpu.memory_space<vmem>> -> memref<128xf32, #tpu.memory_space<vmem>>
      tpu.enqueue_dma source(%dma_start3A_239 : memref<128xf32, #tpu.memory_space<vmem>>) target(%dma_start3A_236 : memref<128xf32, #tpu.memory_space<hbm>>) target_semaphore(%run_scoped3A_227 : memref<!tpu.dma_semaphore, #tpu.memory_space<semaphore_mem>>)
      %dma_wait3A_240 = arith.constant 0 : i32
      %dma_wait3A_241 = tpu.memref_slice %arg7[%run_scoped3A_219, %dma_wait3A_240] : memref<3x256xf32, #tpu.memory_space<vmem>> -> memref<1x128xf32, #tpu.memory_space<vmem>>
      %dma_wait3A_242 = tpu.memref_squeeze %dma_wait3A_241 : memref<1x128xf32, #tpu.memory_space<vmem>> -> memref<128xf32, #tpu.memory_space<vmem>>
      %dma_wait3A_243 = arith.constant 0 : i32
      %dma_wait3A_244 = tpu.memref_slice %arg4[%run_scoped3A_220, %add3A_218, %select_n3A, %dma_wait3A_243] : memref<3x16x4x128xf32, #tpu.memory_space<hbm>> -> memref<1x1x1x128xf32, #tpu.memory_space<hbm>>
      %dma_wait3A_245 = tpu.memref_squeeze %dma_wait3A_244 : memref<1x1x1x128xf32, #tpu.memory_space<hbm>> -> memref<128xf32, #tpu.memory_space<hbm>>
      %dma_wait3A_246 = arith.constant 0 : i32
      %dma_wait3A_247 = tpu.memref_slice %arg4[%run_scoped3A_220, %add3A_218, %select_n3A, %dma_wait3A_246] : memref<3x16x4x128xf32, #tpu.memory_space<hbm>> -> memref<1x1x1x128xf32, #tpu.memory_space<hbm>>
      %dma_wait3A_248 = tpu.memref_squeeze %dma_wait3A_247 : memref<1x1x1x128xf32, #tpu.memory_space<hbm>> -> memref<128xf32, #tpu.memory_space<hbm>>
      %dma_wait3A_249 = arith.constant 0 : i32
      %dma_wait3A_250 = tpu.memref_slice %arg7[%run_scoped3A_219, %dma_wait3A_249] : memref<3x256xf32, #tpu.memory_space<vmem>> -> memref<1x128xf32, #tpu.memory_space<vmem>>
      %dma_wait3A_251 = tpu.memref_squeeze %dma_wait3A_250 : memref<1x128xf32, #tpu.memory_space<vmem>> -> memref<128xf32, #tpu.memory_space<vmem>>
      tpu.wait_dma2 semaphore(%run_scoped3A_227 : memref<!tpu.dma_semaphore, #tpu.memory_space<semaphore_mem>>) src(%dma_wait3A_251 : memref<128xf32, #tpu.memory_space<vmem>>) dst(%dma_wait3A_248 : memref<128xf32, #tpu.memory_space<hbm>>)
      tpu.yield
    }) : () -> ()
    %mul3A_221 = arith.constant 2 : i32
    %mul3A_222 = arith.muli %select_n3A_30, %mul3A_221 : i32
    %add3A_223 = arith.constant 1 : i32
    %add3A_224 = arith.addi %mul3A_222, %add3A_223 : i32
    %run_scoped3A_225 = arith.constant 2 : i32
    %run_scoped3A_226 = arith.constant 2 : i32
    "tpu.region"() ({
      %run_scoped3A_227 = tpu.sem_alloc : memref<!tpu.dma_semaphore, #tpu.memory_space<semaphore_mem>>
      %dma_start3A_228 = arith.constant 128 : i32
      %dma_start3A_229 = tpu.memref_slice %arg7[%run_scoped3A_225, %dma_start3A_228] : memref<3x256xf32, #tpu.memory_space<vmem>> -> memref<1x128xf32, #tpu.memory_space<vmem>>
      %dma_start3A_230 = tpu.memref_squeeze %dma_start3A_229 : memref<1x128xf32, #tpu.memory_space<vmem>> -> memref<128xf32, #tpu.memory_space<vmem>>
      %dma_start3A_231 = arith.constant 0 : i32
      %dma_start3A_232 = tpu.memref_slice %arg4[%run_scoped3A_226, %add3A_224, %select_n3A, %dma_start3A_231] : memref<3x16x4x128xf32, #tpu.memory_space<hbm>> -> memref<1x1x1x128xf32, #tpu.memory_space<hbm>>
      %dma_start3A_233 = tpu.memref_squeeze %dma_start3A_232 : memref<1x1x1x128xf32, #tpu.memory_space<hbm>> -> memref<128xf32, #tpu.memory_space<hbm>>
      %dma_start3A_234 = arith.constant 0 : i32
      %dma_start3A_235 = tpu.memref_slice %arg4[%run_scoped3A_226, %add3A_224, %select_n3A, %dma_start3A_234] : memref<3x16x4x128xf32, #tpu.memory_space<hbm>> -> memref<1x1x1x128xf32, #tpu.memory_space<hbm>>
      %dma_start3A_236 = tpu.memref_squeeze %dma_start3A_235 : memref<1x1x1x128xf32, #tpu.memory_space<hbm>> -> memref<128xf32, #tpu.memory_space<hbm>>
      %dma_start3A_237 = arith.constant 128 : i32
      %dma_start3A_238 = tpu.memref_slice %arg7[%run_scoped3A_225, %dma_start3A_237] : memref<3x256xf32, #tpu.memory_space<vmem>> -> memref<1x128xf32, #tpu.memory_space<vmem>>
      %dma_start3A_239 = tpu.memref_squeeze %dma_start3A_238 : memref<1x128xf32, #tpu.memory_space<vmem>> -> memref<128xf32, #tpu.memory_space<vmem>>
      tpu.enqueue_dma source(%dma_start3A_239 : memref<128xf32, #tpu.memory_space<vmem>>) target(%dma_start3A_236 : memref<128xf32, #tpu.memory_space<hbm>>) target_semaphore(%run_scoped3A_227 : memref<!tpu.dma_semaphore, #tpu.memory_space<semaphore_mem>>)
      %dma_wait3A_240 = arith.constant 128 : i32
      %dma_wait3A_241 = tpu.memref_slice %arg7[%run_scoped3A_225, %dma_wait3A_240] : memref<3x256xf32, #tpu.memory_space<vmem>> -> memref<1x128xf32, #tpu.memory_space<vmem>>
      %dma_wait3A_242 = tpu.memref_squeeze %dma_wait3A_241 : memref<1x128xf32, #tpu.memory_space<vmem>> -> memref<128xf32, #tpu.memory_space<vmem>>
      %dma_wait3A_243 = arith.constant 0 : i32
      %dma_wait3A_244 = tpu.memref_slice %arg4[%run_scoped3A_226, %add3A_224, %select_n3A, %dma_wait3A_243] : memref<3x16x4x128xf32, #tpu.memory_space<hbm>> -> memref<1x1x1x128xf32, #tpu.memory_space<hbm>>
      %dma_wait3A_245 = tpu.memref_squeeze %dma_wait3A_244 : memref<1x1x1x128xf32, #tpu.memory_space<hbm>> -> memref<128xf32, #tpu.memory_space<hbm>>
      %dma_wait3A_246 = arith.constant 0 : i32
      %dma_wait3A_247 = tpu.memref_slice %arg4[%run_scoped3A_226, %add3A_224, %select_n3A, %dma_wait3A_246] : memref<3x16x4x128xf32, #tpu.memory_space<hbm>> -> memref<1x1x1x128xf32, #tpu.memory_space<hbm>>
      %dma_wait3A_248 = tpu.memref_squeeze %dma_wait3A_247 : memref<1x1x1x128xf32, #tpu.memory_space<hbm>> -> memref<128xf32, #tpu.memory_space<hbm>>
      %dma_wait3A_249 = arith.constant 128 : i32
      %dma_wait3A_250 = tpu.memref_slice %arg7[%run_scoped3A_225, %dma_wait3A_249] : memref<3x256xf32, #tpu.memory_space<vmem>> -> memref<1x128xf32, #tpu.memory_space<vmem>>
      %dma_wait3A_251 = tpu.memref_squeeze %dma_wait3A_250 : memref<1x128xf32, #tpu.memory_space<vmem>> -> memref<128xf32, #tpu.memory_space<vmem>>
      tpu.wait_dma2 semaphore(%run_scoped3A_227 : memref<!tpu.dma_semaphore, #tpu.memory_space<semaphore_mem>>) src(%dma_wait3A_251 : memref<128xf32, #tpu.memory_space<vmem>>) dst(%dma_wait3A_248 : memref<128xf32, #tpu.memory_space<hbm>>)
      tpu.yield
    }) : () -> ()
    return
  }
}

module attributes {stable_mosaic.version = 14 : i64} {
  func.func @_mm_body(%arg0: i32, %arg1: memref<2048x1024xf32, #tpu.memory_space<vmem>>, %arg2: memref<3x1024xf32, #tpu.memory_space<vmem>>, %arg3: memref<1x3xf32, #tpu.memory_space<vmem>>, %arg4: memref<2048x128xf32, #tpu.memory_space<vmem>>) attributes {dimension_semantics = [#tpu.dimension_semantics<arbitrary>], iteration_bounds = array<i64: 8>, scalar_prefetch = 0 : i64, scratch_operands = 0 : i64, tpu.core_type = #tpu.core_type<tc>, window_params = [{transform_indices = @transform_0, window_bounds = array<i64: 2048, 1024>}, {pipeline_mode = #tpu.pipeline_mode<synchronous>, transform_indices = @transform_1, window_bounds = array<i64: 3, 1024>}, {pipeline_mode = #tpu.pipeline_mode<synchronous>, transform_indices = @transform_2, window_bounds = array<i64: 1, 3>}, {transform_indices = @transform_3, window_bounds = array<i64: 2048, 128>}]} {
    %get3A = arith.constant 0 : index
    %get3A_0 = arith.constant 0 : index
    %get3A_1 = vector.load %arg1[%get3A, %get3A_0] : memref<2048x1024xf32, #tpu.memory_space<vmem>>, vector<2048x1024xf32>
    %get3A_2 = arith.constant 0 : index
    %get3A_3 = arith.constant 0 : index
    %get3A_4 = vector.load %arg2[%get3A_2, %get3A_3] : memref<3x1024xf32, #tpu.memory_space<vmem>>, vector<3x1024xf32>
    %dot_general3A = arith.constant dense<0.000000e+00> : vector<2048x3xf32>
    %dot_general3A_5 = tpu.matmul %get3A_1, %get3A_4, %dot_general3A {dimension_numbers = #tpu.dot_dimension_numbers<[1], [1], [0], [0], [0, 0, 1, 0], [], []>, transpose_lhs_hint = false} : vector<2048x1024xf32>, vector<3x1024xf32>, vector<2048x3xf32> -> vector<2048x3xf32>
    %get3A_6 = arith.constant 0 : index
    %get3A_7 = arith.constant 0 : index
    %get3A_8 = vector.load %arg3[%get3A_6, %get3A_7] : memref<1x3xf32, #tpu.memory_space<vmem>>, vector<1x3xf32>
    %mul3A = arith.constant 0.333333343 : f32
    %mul3A_9 = vector.broadcast %mul3A : f32 to vector<1x3xf32>
    %mul3A_10 = arith.mulf %get3A_8, %mul3A_9 : vector<1x3xf32>
    %add3A = vector.broadcast %mul3A_10 : vector<1x3xf32> to vector<2048x3xf32>
    %add3A_11 = arith.addf %dot_general3A_5, %add3A : vector<2048x3xf32>
    %jit3A = arith.constant 0 : i32
    %convert_element_type3A = arith.sitofp %jit3A : i32 to f32
    %pad3A = vector.broadcast %convert_element_type3A : f32 to vector<2048x125xf32>
    %pad3A_12 = tpu.concatenate %add3A_11, %pad3A in 1 : vector<2048x3xf32>, vector<2048x125xf32> -> vector<2048x128xf32>
    %swap3A = arith.constant 0 : index
    %swap3A_13 = arith.constant 0 : index
    %swap3A_14 = vector.load %arg4[%swap3A, %swap3A_13] : memref<2048x128xf32, #tpu.memory_space<vmem>>, vector<2048x128xf32>
    tpu.vector_store %arg4[%swap3A, %swap3A_13], %pad3A_12 {strides = array<i32>} : memref<2048x128xf32, #tpu.memory_space<vmem>>, vector<2048x128xf32>,
    return
  }
  func.func @transform_0(%arg0: i32) -> (i32, i32) {
    %c0_i32 = arith.constant 0 : i32
    %c0_i32_0 = arith.constant 0 : i32
    return %arg0, %c0_i32 : i32, i32
  }
  func.func @transform_1(%arg0: i32) -> (i32, i32) {
    %c0_i32 = arith.constant 0 : i32
    %c0_i32_0 = arith.constant 0 : i32
    %c0_i32_1 = arith.constant 0 : i32
    return %c0_i32, %c0_i32_0 : i32, i32
  }
  func.func @transform_2(%arg0: i32) -> (i32, i32) {
    %c0_i32 = arith.constant 0 : i32
    %c0_i32_0 = arith.constant 0 : i32
    %c0_i32_1 = arith.constant 0 : i32
    return %c0_i32, %c0_i32_0 : i32, i32
  }
  func.func @transform_3(%arg0: i32) -> (i32, i32) {
    %c0_i32 = arith.constant 0 : i32
    %c0_i32_0 = arith.constant 0 : i32
    return %arg0, %c0_i32 : i32, i32
  }
}

</mosaic_0001>

<sc_bundles>
// kernel: kernel.4.cloned.1.call-start
scs
__scs_entry_jumppad:
0x0: {  	(pc) =	sbr.rel $0x88, $3  }
0x1: {  	(tag) =	ssettag $0x0;
	lr =	simm.s32 $0x1  }
0x2: {  	[smem:$0x3F9D] =	sst lr;
	_ =	strace $0xD0000000  }
0x3: {  	_ = 	snop  }
0x4: {  	_ = 	snop  }
0x5: {  	_ = 	snop  }
0x6: {  	_ = 	snop  }
0x7: {  	_ = 	snop  }
__scs_overlays_trampoline_lowered:
0x8: {  	[smem:$0x3FAC] =	sst s0  }
0x9: {  	[smem:$0x3FAD] =	sst s1  }
0xa: {  	[smem:$0x3FAE] =	sst s2  }
0xb: {  	[smem:$0x3FAF] =	sst s3  }
0xc: {  	[smem:$0x3FB0] =	sst s4  }
0xd: {  	[smem:$0x3FB1] =	sst s5  }
0xe: {  	[smem:$0x3FB2] =	sst s6  }
0xf: {  	[smem:$0x3FB3] =	sst s7  }
0x10: {  	[smem:$0x3FB4] =	sst s8  }
0x11: {  	[smem:$0x3FB5] =	sst s9;
	s0 =	simm.s32 @!p0 $0x0  }
0x12: {  	s1 =	sld [smem:$0x3F9B];
	s0 =	simm.s32 @p0 $0x1  }
0x13: {  	[smem:$0x3FB6] =	sst s0;
	s0 =	simm.s32 @!p1 $0x0  }
0x14: {  	s2 =	sld [smem:$0x3F9A];
	s0 =	simm.s32 @p1 $0x1  }
0x15: {  	[smem:$0x3FB7] =	sst s0;
	s0 =	simm.s32 @!p2 $0x0  }
0x16: {  	s3 =	sld [smem:$0x3FDB];
	s0 =	simm.s32 @p2 $0x1  }
0x17: {  	s4 =	simm.s32 $0x1BF5;
	[smem:$0x3FB9] =	sst s0  }
0x18: {  	s0 =	sld [smem:$0x3F9C];
	_ =	swait.ge [sflag:s4], $0x0  }
0x19: {  	s7 =	sld [smem:$0x3F9D]  }
0x1a: {  	s8 =	sadd.s32 $0xFFFFE003, lr  }
0x1b: {  	s9 =	sadd.s32 $0xFFFFFEF7, lr;
	s5 =	simm.s32 $0xFFFFFFFF;
	p2 =	slt.u32 s8, $0xFFFFF086  }
0x1c: {  	p1 =	slt.u32 s9, $0xF7A;
	s5 =	simm.s32 @!p2 $0x0  }
0x1d: {  	s5 =	simm.s32 @p1 $0x1;
	p0 =	seq.s32 s7, s2  }
0x1e: {  	s7 =	smul.u32 @!p0 $0xF7A, s2;
	p2 =	seq.s32 @!p0 s5, $0x0  }
0x1f: {  	s9 =	smul.u32 $0xF7A, s1;
	s8 =	simm.s32 @!p0 $0x1BF5;
	p2 =	por !p2, p0  }
0x20: {  	[sflag:s8] =	ssyncset.s32 @!p0 $0xFFFFF086;
	s6 =	sadd.s32 @!p0 s3, s7;
	s7 =	simm.s32 @!p0 $0x108  }
0x21: {  	s3 =	sadd.s32 s3, s9;
	s6 =	sadd.s32 @!p0 $0x88, s6;
	s7 =	simm.s32 @p2 $0x1082  }
0x22: {  	[simem:s7], [sflag:s8] =	dma.local @!p0 [hbm:s6], $0xF7A  }
0x23: {  	s9 =	sor.u32 $0xD0000000, s2;
	s6 =	simm.s32 $0x108;
	_ =	swait.ge @!p0 [sflag:s8], $0x0  }
0x24: {  	s3 =	sadd.s32 $0x88, s3;
	s6 =	simm.s32 @!p1 $0x1082;
	[sflag:s4] =	ssyncset.s32 $0xFFFFF086  }
0x25: {  	[simem:s6], [sflag:s4] =	dma.local [hbm:s3], $0xF7A  }
0x26: {  	[smem:$0x3F9D] =	sst s1;
	(tag) =	ssettag s2;
	_ =	strace s9  }
0x27: {  	s1 =	sld [smem:$0x3FAD]  }
0x28: {  	s2 =	sld [smem:$0x3FAE]  }
0x29: {  	s4 =	sld [smem:$0x3FB0]  }
0x2a: {  	p0 =	seq.s32 s5, $0x0;
	s5 =	sld [smem:$0x3FB1]  }
0x2b: {  	s6 =	sld [smem:$0x3FB2]  }
0x2c: {  	s7 =	sld [smem:$0x3FB3]  }
0x2d: {  	s3 =	simm.s32 $0x108;
	s8 =	sld [smem:$0x3FB4]  }
0x2e: {  	s3 =	simm.s32 @!p0 $0x1082;
	s9 =	sld [smem:$0x3FB5]  }
0x2f: {  	lr =	sadd.s32 s0, s3;
	s0 =	sld [smem:$0x3FAC]  }
0x30: {  	s3 =	sld [smem:$0x3FAF]  }
0x31: {  	[smem:$0x3FB8] =	sst s10  }
0x32: {  	s10 =	sld [smem:$0x3FB6];
	_ =	sdelay $0x3  }
0x33: {  	p0 =	seq.s32 s10, $0x1;
	s10 =	sld [smem:$0x3FB8];
	_ =	sdelay $0x3  }
0x34: {  	[smem:$0x3FB8] =	sst s10  }
0x35: {  	s10 =	sld [smem:$0x3FB7];
	_ =	sdelay $0x3  }
0x36: {  	p1 =	seq.s32 s10, $0x1;
	s10 =	sld [smem:$0x3FB8];
	_ =	sdelay $0x3  }
0x37: {  	[smem:$0x3FB8] =	sst s10  }
0x38: {  	s10 =	sld [smem:$0x3FB9]  }
0x39: {  	_ = 	snop;
	(pc) =	sbr.ind lr, $3  }
0x3a: {  	_ = 	snop  }
0x3b: {  	_ = 	snop  }
0x3c: {  	p2 =	seq.s32 s10, $0x1;
	s10 =	sld [smem:$0x3FB8]  }
0x3d: {  	_ =	shalt  }
0x3e: {  	_ =	shalt  }
0x3f: {  	_ =	shalt  }
0x40: {  	_ =	shalt  }
0x41: {  	_ =	shalt  }
0x42: {  	_ =	shalt  }
0x43: {  	_ =	shalt  }
0x44: {  	_ =	shalt  }
0x45: {  	_ =	shalt  }
0x46: {  	_ =	shalt  }
0x47: {  	_ =	shalt  }
0x48: {  	_ =	shalt  }
0x49: {  	_ =	shalt  }
0x4a: {  	_ =	shalt  }
0x4b: {  	_ =	shalt  }
0x4c: {  	_ =	shalt  }
0x4d: {  	_ =	shalt  }
0x4e: {  	_ =	shalt  }
0x4f: {  	_ =	shalt  }
0x50: {  	_ =	shalt  }
0x51: {  	_ =	shalt  }
0x52: {  	_ =	shalt  }
0x53: {  	_ =	shalt  }
0x54: {  	_ =	shalt  }
0x55: {  	_ =	shalt  }
0x56: {  	_ =	shalt  }
0x57: {  	_ =	shalt  }
0x58: {  	_ =	shalt  }
0x59: {  	_ =	shalt  }
0x5a: {  	_ =	shalt  }
0x5b: {  	_ =	shalt  }
0x5c: {  	_ =	shalt  }
0x5d: {  	_ =	shalt  }
0x5e: {  	_ =	shalt  }
0x5f: {  	_ =	shalt  }
0x60: {  	_ =	shalt  }
0x61: {  	_ =	shalt  }
0x62: {  	_ =	shalt  }
0x63: {  	_ =	shalt  }
0x64: {  	_ =	shalt  }
0x65: {  	_ =	shalt  }
0x66: {  	_ =	shalt  }
0x67: {  	_ =	shalt  }
0x68: {  	_ =	shalt  }
0x69: {  	_ =	shalt  }
0x6a: {  	_ =	shalt  }
0x6b: {  	_ =	shalt  }
0x6c: {  	_ =	shalt  }
0x6d: {  	_ =	shalt  }
0x6e: {  	_ =	shalt  }
0x6f: {  	_ =	shalt  }
0x70: {  	_ =	shalt  }
0x71: {  	_ =	shalt  }
0x72: {  	_ =	shalt  }
0x73: {  	_ =	shalt  }
0x74: {  	_ =	shalt  }
0x75: {  	_ =	shalt  }
0x76: {  	_ =	shalt  }
0x77: {  	_ =	shalt  }
0x78: {  	_ =	shalt  }
0x79: {  	_ =	shalt  }
0x7a: {  	_ =	shalt  }
0x7b: {  	_ =	shalt  }
0x7c: {  	_ =	shalt  }
0x7d: {  	_ =	shalt  }
0x7e: {  	_ =	shalt  }
0x7f: {  	_ =	shalt  }
0x80: {  	_ =	shalt  }
0x81: {  	_ =	shalt  }
0x82: {  	_ =	shalt  }
0x83: {  	_ =	shalt  }
0x84: {  	_ =	shalt  }
0x85: {  	_ =	shalt  }
0x86: {  	_ =	shalt  }
0x87: {  	_ =	shalt  }
.Lfunc_end0:
.L_simem_size_0:
called_computation_lowered:
.L_overlay_start_0:
0x88: {  	s2 =	sld [smem:$0x3FD9]  }
0x89: {  	s3 =	sld [smem:$0x3FFE];
	_ =	sdelay $0x1  }
0x8a: {  	s1 =	srdreg.scid  }
0x8b: {  	s0 =	sand.u32 $0x1, s1  }
0x8c: {  	s17 =	sshll.u32 s0, $0xA;
	s2 =	sadd.s32 s3, s2  }
0x8d: {  	s2 =	sadd.s32 s2, s17  }
0x8e: {  	[smem:$0x3FC4] =	sst s2  }
0x8f: {  	_ = 	snop  }
0x90: {  	s2 =	sld [smem:$0x3FC8]  }
0x91: {  	s18 =	sld [smem:$0x3FD0];
	(tm) =	ssettm $0x1  }
0x92: {  	s4 =	sld [smem:$0x3FFB];
	_ =	sdelay $0x3  }
0x93: {  	_ =	strace s4  }
0x94: {  	s4 =	sld [smem:$0x3FFC];
	_ =	sdelay $0x3  }
0x95: {  	_ =	strace s4  }
0x96: {  	s4 =	sld [smem:$0x3FFD];
	_ =	sdelay $0x3  }
0x97: {  	_ =	strace s4  }
0x98: {  	_ =	strace $0x8FFFFFFF  }
0x99: {  	s19 =	sld [smem:$0x3FDB];
	_ =	sdelay $0x1  }
0x9a: {  	s5 =	simm.s32 $_scs_section_size  }
0x9b: {  	s6 =	simm.s32 $_size__tile_overlayer_lowered;
	s7 =	simm.s32 $_tile_overlayer_lowered  }
0x9c: {  	s22 =	simm.s32 $0x1BFF;
	s21 =	sshll.u32 s7, $0x1;
	s4 =	sadd.s32 s5, s19  }
0x9d: {  	s8 =	simm.s32 $0x0;
	s20 =	sshll.u32 s6, $0x1;
	s6 =	sadd.s32 s21, s4  }
0x9e: {  	[timem:s8], [sflag:s22] =	dma.local [hbm:s6], s20  }
0x9f: {  	_ =	swait.ge [sflag:s22], s20  }
0xa0: {  	s5 =	ssub.s32 $0x0, s20;
	[sflag:s22] =	ssyncset.done $0x0  }
0xa1: {  	[sflag:s22] =	ssyncadd.s32 s5;
	_ =	sdelay $0x1  }
0xa2: {  	s23 =	simm.s32 $0x1B8B  }
0xa3: {  	_ =	swait.ge [sflag:s23], $0x1  }
0xa4: {  	[sflag:s23] =	ssyncset.done $0x0  }
0xa5: {  	s25 =	simm.s32 $0x1B8E;
	s24 =	sld [smem:$0x3FFE];
	[sflag:s23] =	ssyncadd.s32 $0xFFFFFFFF  }
0xa6: {  	s26 =	simm.s32 $execute0_lowered;
	[smem:$0x3FD2] =	sst s25  }
0xa7: {  	s6 =	sshll.u32 s26, $0x1;
	_ =	strace $0x80000046;
	[dreg:$0x1] =	wrdreg $0xFFFFFFFF  }
0xa8: {  	s28 =	simm.s32 $_size_execute0_lowered;
	s4 =	sadd.s32 s4, s6;
	[dreg:$0x0] =	wrdreg $0x0  }
0xa9: {  	s6 =	sshll.u32 s28, $0x1;
	[dreg:$0x2] =	wrdreg s4  }
0xaa: {  	[dreg:$0x3] =	wrdreg s6  }
0xab: {  	[dreg:$0x4] =	wrdreg $0xC0  }
0xac: {  	_ =	task [dreg:s8], $0x5FFFF  }
0xad: {  	[dreg:$0x1] =	wrdreg $0xFFFFFFFF  }
0xae: {  	[dreg:$0x0] =	wrdreg $0x60  }
0xaf: {  	[dreg:$0x2] =	wrdreg s24  }
0xb0: {  	[dreg:$0x3] =	wrdreg s2  }
0xb1: {  	[dreg:$0x4] =	wrdreg s18  }
0xb2: {  	[dreg:$0x5] =	wrdreg $0x9  }
0xb3: {  	_ =	task.clear_ibuf [dreg:s8], $0x6FFFF;
	_ =	strace $0x90000046  }
0xb4: {  	s29 =	simm.s32 $0x9;
	_ =	strace $0x80000048  }
0xb5: {  	_ =	swait.ge [sflag:s29], $0x1  }
0xb6: {  	[sflag:s29] =	ssyncadd.s32 $0xFFFFFFFF  }
0xb7: {  	_ =	strace $0x90000048  }
0xb8: {  	_ =	sfence  }
0xb9: {  	s30 =	sld [smem:$0x0];
	_ =	sdelay $0x2  }
0xba: {  	s31 =	sshll.u32 s1, $0xD;
	s1 =	sshrl.u32 s1, $0x2  }
0xbb: {  	s3 =	sand.u32 $0x4000, s31;
	s1 =	sadd.s32 s1, s30  }
0xbc: {  	s0 =	sor.u32 s3, s0;
	s1 =	sshll.u32 s1, $0x11  }
0xbd: {  	s0 =	sor.u32 s1, s0  }
0xbe: {  	s0 =	sadd.s32 $0x8F2B, s0  }
0xbf: {  	[sflag:s0] =	ssyncadd.remote.s32 $0x1  }
0xc0: {  	_ =	sfence.sel $0xFFFF  }
0xc1: {  	[dreg:$0x0] =	wrdreg $0xFFFFFFFF;
	(pc) =	sbr.abs _section_cstart, $3  }
0xc2: {  	[dreg:$0x1] =	wrdreg $0xFFFFFFFF  }
0xc3: {  	_ =	task.clear_ibuf [dreg:s8], $0x2FFFF;
	_ =	strace $0x9FFFFFFF  }
0xc4: {  	(tm) =	ssettm $0x7FFFFFFF  }
0xc5: {  	_ =	shalt  }
tec
execute0_lowered:
.L_overlay_start_1:
0x0: {  	(tag) =	ssettag $0x1  }
0x1: {  	s0 =	rddreg [dreg:$0x0]  }
0x2: {  	s1 =	rddreg [dreg:$0x1]  }
0x3: {  	s15 =	rddreg [dreg:$0x2];
	s2 =	simm.s32 $0x0;
	s6 =	stileid.u32  }
0x4: {  	s3 =	srdreg.scid;
	s18 =	simm.s32 $0x80;
	s19 =	simm.s32 $0x100  }
0x5: {  	s20 =	simm.s32 $0x180;
	s21 =	simm.s32 $0x200;
	s22 =	simm.s32 $0x280  }
0x6: {  	s23 =	simm.s32 $0x300;
	s30 =	simm.s32 $0x1;
	s24 =	simm.s32 $0x3480  }
0x7: {  	s28 =	simm.s32 $0x0;
	[smem:$0x7FF] =	sst s2;
	s4 =	sshll.u32 s6, $0x1  }
0x8: {  	s3 =	sand.u32 $0x1, s3;
	s10 =	sshrl.u32 s6, $0x2;
	_ =	strace $0x80000047  }
0x9: {  	s4 =	sand.u32 $0x6, s4;
	s5 =	ssub.s32 $0x2, s3;
	s7 =	sshll.u32 s10, $0x4  }
0xa: {  	s25 =	sshll.u32 s10, $0xC;
	s3 =	sor.u32 s3, s4;
	s26 =	sshrl.u32 s5, $0x1  }
0xb: {  	v1 =	vmov s25;
	s25 =	simm.s32 $0x3500;
	s29 =	sshll.u32 s3, $0x7;
	s3 =	sadd.s32 $0x400, s0  }
0xc: {  	s31 =	ssub.s32 s5, s26;
	s0 =	simm.s32 $0x3380;
	s11 =	sor.u32 s7, s29  }
0xd: {  	s26 =	simm.s32 $0x3580;
	s4 =	sadd.s32 s1, s11;
	s12 =	sor.u32 $0x40, s11  }
0xe: {  	s13 =	sor.u32 $0x400, s11;
	s14 =	sor.u32 $0x440, s11;
	s16 =	sor.u32 $0x800, s11  }
0xf: {  	s17 =	sor.u32 $0x840, s11;
	s10 =	sadd.s32 s15, s11;
	s5 =	sadd.s32 s1, s12  }
0x10: {  	v0 =	vlaneseq.u32;
	s6 =	sadd.s32 s1, s13;
	s7 =	sadd.s32 s1, s14;
	s8 =	sadd.s32 s1, s16  }
0x11: {  	v0 =	vmul.u32 $0x10, v0;
	s9 =	sadd.s32 s1, s17;
	s11 =	sadd.s32 s15, s12;
	s12 =	sadd.s32 s15, s13  }
0x12: {  	s13 =	sadd.s32 s15, s14;
	s14 =	sadd.s32 s15, s16;
	s15 =	sadd.s32 s15, s17  }
0x13: {  	v2 =	vor.u32 $0x2000, v0;
	v3 =	vor.u32 $0x1000, v0;
	s16 =	smax.u32 s31, $0x1;
	s17 =	simm.s32 $0x2;
	s1 =	simm.s32 $0x3400  }
.LBB2_1:
0x14: {  	[tilespmem:s2], [sflag:$0x2] =	stream.linear.gather [hbm4b:s4+s2], $0x80, $0x38;
	[tilespmem:$0x3600] =	vst v63  }
0x15: {  	_ =	swait.ge [sflag:s17], $0x80  }
0x16: {  	[sflag:s17] =	ssyncset.done $0x0  }
0x17: {  	[sflag:s17] =	ssyncadd.s32 $0xFFFFFF80  }
0x18: {  	[tilespmem:s18], [sflag:$0x2] =	stream.linear.gather [hbm4b:s5+s2], $0x80, $0x38;
	[tilespmem:$0x3600] =	vst v63  }
0x19: {  	_ =	swait.ge [sflag:s17], $0x80  }
0x1a: {  	[sflag:s17] =	ssyncset.done $0x0  }
0x1b: {  	[sflag:s17] =	ssyncadd.s32 $0xFFFFFF80  }
0x1c: {  	[tilespmem:s19], [sflag:$0x2] =	stream.linear.gather [hbm4b:s6+s2], $0x80, $0x38;
	[tilespmem:$0x3600] =	vst v63  }
0x1d: {  	_ =	swait.ge [sflag:s17], $0x80  }
0x1e: {  	[sflag:s17] =	ssyncset.done $0x0  }
0x1f: {  	[sflag:s17] =	ssyncadd.s32 $0xFFFFFF80  }
0x20: {  	[tilespmem:s20], [sflag:$0x2] =	stream.linear.gather [hbm4b:s7+s2], $0x80, $0x38;
	[tilespmem:$0x3600] =	vst v63  }
0x21: {  	_ =	swait.ge [sflag:s17], $0x80  }
0x22: {  	[sflag:s17] =	ssyncset.done $0x0  }
0x23: {  	[sflag:s17] =	ssyncadd.s32 $0xFFFFFF80  }
0x24: {  	[tilespmem:s21], [sflag:$0x2] =	stream.linear.gather [hbm4b:s8+s2], $0x80, $0x38;
	[tilespmem:$0x3600] =	vst v63  }
0x25: {  	_ =	swait.ge [sflag:s17], $0x80  }
0x26: {  	[sflag:s17] =	ssyncset.done $0x0  }
0x27: {  	[sflag:s17] =	ssyncadd.s32 $0xFFFFFF80  }
0x28: {  	[tilespmem:s22], [sflag:$0x2] =	stream.linear.gather [hbm4b:s9+s2], $0x80, $0x38;
	[tilespmem:$0x3600] =	vst v63  }
0x29: {  	_ =	swait.ge [sflag:s17], $0x80  }
0x2a: {  	[sflag:s17] =	ssyncset.done $0x0  }
0x2b: {  	s29 =	simm.s32 $0x0;
	s31 =	simm.s32 $0x40;
	[sflag:s17] =	ssyncadd.s32 $0xFFFFFF80  }
.LBB2_2:
0x2c: {  	p0 =	sne.s32 s31, $0xBC0;
	v4 =	vld [tilespmem:s29+$0x0];
	_ =	sdelay $0x2  }
.Ltmp0:
0x2d: {  	(pc) =	sbr.rel @p0 .LBB2_2-.Ltmp0, $4  }
0x2e: {  	_ = 	snop  }
0x2f: {  	v4 =	vadd.s32 v1, v4  }
0x30: {  	v4 =	vshll.u32 v4, $0x3  }
0x31: {  	[tilespmem:s29+$0x0] =	vst v4;
	s29 =	sshra.s32 s31, $0x2;
	s31 =	sadd.s32 $0x40, s31  }
0x32: {  	v4 =	vld [tilespmem:s29+$0x0];
	_ =	sdelay $0x4  }
0x33: {  	v4 =	vadd.s32 v1, v4  }
0x34: {  	v4 =	vshll.u32 v4, $0x3  }
0x35: {  	[tilespmem:s29+$0x0] =	vst v4;
	s29 =	simm.s32 $0x0  }
0x36: {  	[tilespmem:s23], [sflag:$0x1] =	stream.indirect.gather [hbm4b:s3+s18], $0x10, s29, s18, $0xb8;
	[tilespmem:$0x3600] =	vst v63  }
0x37: {  	s31 =	simm.s32 $0xB00  }
0x38: {  	[tilespmem:s31], [sflag:$0x1] =	stream.indirect.gather [hbm4b:s3+s18], $0x10, s18, s18, $0xb8;
	[tilespmem:$0x3600] =	vst v63  }
0x39: {  	s31 =	simm.s32 $0x1300  }
0x3a: {  	[tilespmem:s31], [sflag:$0x1] =	stream.indirect.gather [hbm4b:s3+s18], $0x10, s19, s18, $0xb8;
	[tilespmem:$0x3600] =	vst v63  }
0x3b: {  	s31 =	simm.s32 $0x1B00  }
0x3c: {  	[tilespmem:s31], [sflag:$0x1] =	stream.indirect.gather [hbm4b:s3+s18], $0x10, s20, s18, $0xb8;
	[tilespmem:$0x3600] =	vst v63  }
0x3d: {  	s31 =	simm.s32 $0x2300  }
0x3e: {  	[tilespmem:s31], [sflag:$0x1] =	stream.indirect.gather [hbm4b:s3+s18], $0x10, s21, s18, $0xb8;
	[tilespmem:$0x3600] =	vst v63  }
0x3f: {  	s31 =	simm.s32 $0x2B00  }
0x40: {  	[tilespmem:s31], [sflag:$0x1] =	stream.indirect.gather [hbm4b:s3+s18], $0x10, s22, s18, $0xb8;
	[tilespmem:$0x3600] =	vst v63  }
0x41: {  	_ =	swait.ge [sflag:s30], $0x800  }
0x42: {  	[sflag:s30] =	ssyncset.done $0x0  }
0x43: {  	[sflag:s30] =	ssyncadd.s32 $0xFFFFF800  }
0x44: {  	_ =	swait.ge [sflag:s30], $0x800  }
0x45: {  	[sflag:s30] =	ssyncset.done $0x0  }
0x46: {  	[sflag:s30] =	ssyncadd.s32 $0xFFFFF800  }
0x47: {  	_ =	swait.ge [sflag:s30], $0x800  }
0x48: {  	[sflag:s30] =	ssyncset.done $0x0  }
0x49: {  	[sflag:s30] =	ssyncadd.s32 $0xFFFFF800  }
0x4a: {  	_ =	swait.ge [sflag:s30], $0x800  }
0x4b: {  	[sflag:s30] =	ssyncset.done $0x0  }
0x4c: {  	v4 =	vmov s29;
	[sflag:s30] =	ssyncadd.s32 $0xFFFFF800  }
0x4d: {  	v6 =	vshll.u32 v4, $0x4;
	_ =	swait.ge [sflag:s30], $0x800  }
0x4e: {  	v4 =	vadd.s32 v3, v6;
	[sflag:s30] =	ssyncset.done $0x0  }
0x4f: {  	v5 =	vor.u32 v0, v6;
	[sflag:s30] =	ssyncadd.s32 $0xFFFFF800  }
0x50: {  	_ =	swait.ge [sflag:s30], $0x800  }
0x51: {  	v6 =	vadd.s32 v2, v6;
	[sflag:s30] =	ssyncset.done $0x0  }
0x52: {  	[sflag:s30] =	ssyncadd.s32 $0xFFFFF800  }
0x53: {  	v8 =	vld.idx.msk [tilespmem:v4+s23+$0x0], $0xffff  }
0x54: {  	v9 =	vld.idx.msk [tilespmem:v5+s23+$0x0], $0xffff;
	_ =	sdelay $0x1  }
0x55: {  	s29 =	simm.s32 $0x10;
	v10 =	vld.idx.msk [tilespmem:v6+s23+$0x0], $0xffff  }
0x56: {  	v7 =	vmov s29  }
0x57: {  	v11 =	vshll.u32 v7, $0x4  }
0x58: {  	v7 =	vadd.s32 v3, v11;
	v9 =	vadd.f32 v8, v9  }
0x59: {  	v8 =	vor.u32 v0, v11  }
0x5a: {  	v10 =	vadd.f32 v10, v9  }
0x5b: {  	s29 =	simm.s32 $0x3300;
	v9 =	vadd.s32 v2, v11  }
0x5c: {  	[tilespmem:s29+$0x0] =	vst v10  }
0x5d: {  	v11 =	vld.idx.msk [tilespmem:v7+s23+$0x0], $0xffff  }
0x5e: {  	v13 =	vld.idx.msk [tilespmem:v8+s23+$0x0], $0xffff;
	_ =	sdelay $0x1  }
0x5f: {  	s31 =	simm.s32 $0x20;
	v12 =	vld.idx.msk [tilespmem:v9+s23+$0x0], $0xffff  }
0x60: {  	v10 =	vmov s31  }
0x61: {  	s31 =	simm.s32 $0x30;
	v14 =	vshll.u32 v10, $0x4  }
.LBB2_4:
0x62: {  	p0 =	sne.s32 s31, $0xF0;
	v15 =	vadd.s32 v3, v14;
	v11 =	vadd.f32 v11, v13  }
0x63: {  	v13 =	vor.u32 v0, v14  }
0x64: {  	v11 =	vadd.f32 v12, v11  }
0x65: {  	s29 =	sadd.s32 $0x10, s29;
	v12 =	vadd.s32 v2, v14  }
0x66: {  	[tilespmem:s29+$0x0] =	vst v11  }
0x67: {  	v11 =	vld.idx.msk [tilespmem:v15+s23+$0x0], $0xffff  }
0x68: {  	v13 =	vld.idx.msk [tilespmem:v13+s23+$0x0], $0xffff  }
.Ltmp1:
0x69: {  	(pc) =	sbr.rel @p0 .LBB2_4-.Ltmp1, $3  }
0x6a: {  	v12 =	vld.idx.msk [tilespmem:v12+s23+$0x0], $0xffff;
	_ =	sdelay $0x1  }
0x6b: {  	v14 =	vmov s31  }
0x6c: {  	s31 =	sadd.s32 $0x10, s31;
	v14 =	vshll.u32 v14, $0x4  }
0x6d: {  	v15 =	vadd.s32 v3, v14;
	v11 =	vadd.f32 v11, v13  }
0x6e: {  	v62 =	vor.u32 v0, v14  }
0x6f: {  	v11 =	vadd.f32 v12, v11  }
0x70: {  	v63 =	vadd.s32 v2, v14;
	s29 =	sadd.s32 $0x10, s29  }
0x71: {  	[tilespmem:s29+$0x0] =	vst v11  }
0x72: {  	v11 =	vld.idx.msk [tilespmem:v15+s23+$0x0], $0xffff  }
0x73: {  	v13 =	vld.idx.msk [tilespmem:v62+s23+$0x0], $0xffff;
	_ =	sdelay $0x1  }
0x74: {  	v12 =	vld.idx.msk [tilespmem:v63+s23+$0x0], $0xffff;
	_ =	sdelay $0x2  }
0x75: {  	v4 =	vor.u32 $0x1, v4;
	v11 =	vadd.f32 v11, v13  }
0x76: {  	v5 =	vor.u32 $0x1, v5  }
0x77: {  	v11 =	vadd.f32 v12, v11  }
0x78: {  	v6 =	vor.u32 $0x1, v6;
	s29 =	sadd.s32 $0x10, s29  }
0x79: {  	[tilespmem:s29+$0x0] =	vst v11  }
0x7a: {  	v4 =	vld.idx.msk [tilespmem:v4+s23+$0x0], $0xffff  }
0x7b: {  	v5 =	vld.idx.msk [tilespmem:v5+s23+$0x0], $0xffff;
	_ =	sdelay $0x1  }
0x7c: {  	v6 =	vld.idx.msk [tilespmem:v6+s23+$0x0], $0xffff;
	_ =	sdelay $0x2  }
0x7d: {  	v7 =	vor.u32 $0x1, v7;
	v4 =	vadd.f32 v4, v5  }
0x7e: {  	v8 =	vor.u32 $0x1, v8  }
0x7f: {  	v4 =	vadd.f32 v6, v4  }
0x80: {  	v9 =	vor.u32 $0x1, v9;
	s29 =	simm.s32 $0x3400  }
0x81: {  	[tilespmem:s29+$0x0] =	vst v4  }
0x82: {  	v5 =	vld.idx.msk [tilespmem:v7+s23+$0x0], $0xffff  }
0x83: {  	v6 =	vld.idx.msk [tilespmem:v8+s23+$0x0], $0xffff;
	_ =	sdelay $0x1  }
0x84: {  	v4 =	vld.idx.msk [tilespmem:v9+s23+$0x0], $0xffff  }
0x85: {  	s31 =	simm.s32 $0x30;
	v7 =	vshll.u32 v10, $0x4  }
.LBB2_6:
0x86: {  	p0 =	sne.s32 s31, $0xF0;
	v8 =	vadd.s32 v3, v7  }
0x87: {  	v9 =	vor.u32 v0, v7;
	v5 =	vadd.f32 v5, v6;
	v8 =	vor.u32 $0x1, v8  }
0x88: {  	v6 =	vor.u32 $0x1, v9  }
0x89: {  	v7 =	vadd.s32 v2, v7;
	v4 =	vadd.f32 v4, v5  }
0x8a: {  	s29 =	sadd.s32 $0x10, s29;
	v7 =	vor.u32 $0x1, v7  }
0x8b: {  	[tilespmem:s29+$0x0] =	vst v4  }
0x8c: {  	v5 =	vld.idx.msk [tilespmem:v8+s23+$0x0], $0xffff  }
.Ltmp2:
0x8d: {  	v6 =	vld.idx.msk [tilespmem:v6+s23+$0x0], $0xffff;
	(pc) =	sbr.rel @p0 .LBB2_6-.Ltmp2, $4  }
0x8e: {  	_ = 	snop  }
0x8f: {  	v4 =	vld.idx.msk [tilespmem:v7+s23+$0x0], $0xffff  }
0x90: {  	v7 =	vmov s31  }
0x91: {  	s31 =	sadd.s32 $0x10, s31;
	v7 =	vshll.u32 v7, $0x4  }
0x92: {  	v8 =	vadd.s32 v3, v7  }
0x93: {  	v9 =	vor.u32 v0, v7;
	v5 =	vadd.f32 v5, v6;
	v8 =	vor.u32 $0x1, v8  }
0x94: {  	v6 =	vor.u32 $0x1, v9  }
0x95: {  	v7 =	vadd.s32 v2, v7;
	v4 =	vadd.f32 v4, v5  }
0x96: {  	s29 =	sadd.s32 $0x10, s29;
	v5 =	vor.u32 $0x1, v7  }
0x97: {  	[tilespmem:s29+$0x0] =	vst v4  }
0x98: {  	v4 =	vld.idx.msk [tilespmem:v8+s23+$0x0], $0xffff  }
0x99: {  	v6 =	vld.idx.msk [tilespmem:v6+s23+$0x0], $0xffff  }
0x9a: {  	s31 =	simm.s32 $0x0  }
0x9b: {  	v7 =	vmov s31;
	v5 =	vld.idx.msk [tilespmem:v5+s23+$0x0], $0xffff  }
0x9c: {  	v7 =	vshll.u32 v7, $0x4  }
0x9d: {  	v8 =	vadd.s32 v3, v7  }
0x9e: {  	v8 =	vor.u32 $0x2, v8;
	v4 =	vadd.f32 v4, v6;
	v6 =	vor.u32 v0, v7  }
0x9f: {  	v6 =	vor.u32 $0x2, v6  }
0xa0: {  	v4 =	vadd.f32 v5, v4;
	v5 =	vadd.s32 v2, v7  }
0xa1: {  	s29 =	sadd.s32 $0x10, s29;
	v5 =	vor.u32 $0x2, v5  }
0xa2: {  	[tilespmem:s29+$0x0] =	vst v4  }
0xa3: {  	v4 =	vld.idx.msk [tilespmem:v8+s23+$0x0], $0xffff  }
0xa4: {  	v6 =	vld.idx.msk [tilespmem:v6+s23+$0x0], $0xffff  }
0xa5: {  	s29 =	simm.s32 $0x10  }
0xa6: {  	v7 =	vmov s29;
	v5 =	vld.idx.msk [tilespmem:v5+s23+$0x0], $0xffff  }
0xa7: {  	v7 =	vshll.u32 v7, $0x4  }
0xa8: {  	v8 =	vadd.s32 v3, v7  }
0xa9: {  	v63 =	vor.u32 v0, v7;
	v8 =	vor.u32 $0x2, v8;
	v4 =	vadd.f32 v4, v6  }
0xaa: {  	v6 =	vor.u32 $0x2, v63  }
0xab: {  	v7 =	vadd.s32 v2, v7;
	v4 =	vadd.f32 v5, v4  }
0xac: {  	s29 =	simm.s32 $0x3500;
	v5 =	vor.u32 $0x2, v7  }
0xad: {  	[tilespmem:s29+$0x0] =	vst v4  }
0xae: {  	v4 =	vld.idx.msk [tilespmem:v8+s23+$0x0], $0xffff  }
0xaf: {  	v6 =	vld.idx.msk [tilespmem:v6+s23+$0x0], $0xffff  }
0xb0: {  	s31 =	simm.s32 $0x20  }
0xb1: {  	v7 =	vmov s31;
	v5 =	vld.idx.msk [tilespmem:v5+s23+$0x0], $0xffff  }
0xb2: {  	s31 =	simm.s32 $0x30;
	v7 =	vshll.u32 v7, $0x4  }
.LBB2_8:
0xb3: {  	p0 =	sne.s32 s31, $0xF0;
	v8 =	vadd.s32 v3, v7  }
0xb4: {  	v9 =	vor.u32 v0, v7;
	v4 =	vadd.f32 v4, v6;
	v8 =	vor.u32 $0x2, v8  }
0xb5: {  	v6 =	vor.u32 $0x2, v9  }
0xb6: {  	v7 =	vadd.s32 v2, v7;
	v4 =	vadd.f32 v5, v4  }
0xb7: {  	s29 =	sadd.s32 $0x10, s29;
	v5 =	vor.u32 $0x2, v7  }
0xb8: {  	[tilespmem:s29+$0x0] =	vst v4  }
0xb9: {  	v4 =	vld.idx.msk [tilespmem:v8+s23+$0x0], $0xffff  }
.Ltmp3:
0xba: {  	v6 =	vld.idx.msk [tilespmem:v6+s23+$0x0], $0xffff;
	(pc) =	sbr.rel @p0 .LBB2_8-.Ltmp3, $4  }
0xbb: {  	_ = 	snop  }
0xbc: {  	v5 =	vld.idx.msk [tilespmem:v5+s23+$0x0], $0xffff  }
0xbd: {  	v7 =	vmov s31  }
0xbe: {  	s31 =	sadd.s32 $0x10, s31;
	v7 =	vshll.u32 v7, $0x4  }
0xbf: {  	v8 =	vadd.s32 v3, v7  }
0xc0: {  	v9 =	vor.u32 v0, v7;
	v4 =	vadd.f32 v4, v6;
	v8 =	vor.u32 $0x2, v8  }
0xc1: {  	v62 =	vor.u32 $0x2, v9  }
0xc2: {  	v63 =	vadd.s32 v2, v7;
	v4 =	vadd.f32 v5, v4  }
0xc3: {  	s29 =	sadd.s32 $0x10, s29;
	v5 =	vor.u32 $0x2, v63  }
0xc4: {  	[tilespmem:s29+$0x0] =	vst v4  }
0xc5: {  	v4 =	vld.idx.msk [tilespmem:v8+s23+$0x0], $0xffff  }
0xc6: {  	v6 =	vld.idx.msk [tilespmem:v62+s23+$0x0], $0xffff;
	_ =	sdelay $0x1  }
0xc7: {  	v5 =	vld.idx.msk [tilespmem:v5+s23+$0x0], $0xffff;
	_ =	sdelay $0x2  }
0xc8: {  	v4 =	vadd.f32 v4, v6;
	_ =	sdelay $0x1  }
0xc9: {  	v4 =	vadd.f32 v5, v4  }
0xca: {  	s29 =	sadd.s32 $0x10, s29  }
0xcb: {  	s31 =	simm.s32 $0x3300;
	[tilespmem:s29+$0x0] =	vst v4  }
0xcc: {  	[hbm4b:s10+s2] =	stream.linear.scatter [tilespmem:s31], [sflag:$0x2], $0x80, $0x38;
	[tilespmem:$0x3600] =	vst v63  }
0xcd: {  	_ =	swait.ge [sflag:s17], $0x80  }
0xce: {  	[sflag:s17] =	ssyncset.done $0x0  }
0xcf: {  	[sflag:s17] =	ssyncadd.s32 $0xFFFFFF80  }
0xd0: {  	[hbm4b:s11+s2] =	stream.linear.scatter [tilespmem:s0], [sflag:$0x2], $0x80, $0x38;
	[tilespmem:$0x3600] =	vst v63  }
0xd1: {  	_ =	swait.ge [sflag:s17], $0x80  }
0xd2: {  	[sflag:s17] =	ssyncset.done $0x0  }
0xd3: {  	[sflag:s17] =	ssyncadd.s32 $0xFFFFFF80  }
0xd4: {  	[hbm4b:s12+s2] =	stream.linear.scatter [tilespmem:s1], [sflag:$0x2], $0x80, $0x38;
	[tilespmem:$0x3600] =	vst v63  }
0xd5: {  	_ =	swait.ge [sflag:s17], $0x80  }
0xd6: {  	[sflag:s17] =	ssyncset.done $0x0  }
0xd7: {  	[sflag:s17] =	ssyncadd.s32 $0xFFFFFF80  }
0xd8: {  	[hbm4b:s13+s2] =	stream.linear.scatter [tilespmem:s24], [sflag:$0x2], $0x80, $0x38;
	[tilespmem:$0x3600] =	vst v63  }
0xd9: {  	_ =	swait.ge [sflag:s17], $0x80  }
0xda: {  	[sflag:s17] =	ssyncset.done $0x0  }
0xdb: {  	[sflag:s17] =	ssyncadd.s32 $0xFFFFFF80  }
0xdc: {  	[hbm4b:s14+s2] =	stream.linear.scatter [tilespmem:s25], [sflag:$0x2], $0x80, $0x38;
	[tilespmem:$0x3600] =	vst v63  }
0xdd: {  	s28 =	sadd.s32 $0x1, s28;
	_ =	swait.ge [sflag:s17], $0x80  }
0xde: {  	p0 =	sne.s32 s28, s16;
	[sflag:s17] =	ssyncset.done $0x0  }
.Ltmp4:
0xdf: {  	[sflag:s17] =	ssyncadd.s32 $0xFFFFFF80;
	(pc) =	sbr.rel @p0 .LBB2_1-.Ltmp4, $4  }
0xe0: {  	[hbm4b:s15+s2] =	stream.linear.scatter [tilespmem:s26], [sflag:$0x2], $0x80, $0x38;
	[tilespmem:$0x3600] =	vst v63  }
0xe1: {  	_ =	swait.ge [sflag:s17], $0x80  }
0xe2: {  	[sflag:s17] =	ssyncset.done $0x0  }
0xe3: {  	[sflag:s17] =	ssyncadd.s32 $0xFFFFFF80  }
0xe4: {  	_ =	sfence.sel $0x180000  }
0xe5: {  	[bflag:$0x0] =	sbarrier.arrive $0xFFFF  }
0xe6: {  	_ =	strace $0x90000047  }
0xe7: {  	s0 =	stileid.u32;
	[bflag:$0x2] =	sbarrier.arrive $0xFFFF  }
0xe8: {  	p0 =	sne.s32 s0, $0x0;
	s0 =	rddreg [dreg:$0x3]  }
0xe9: {  	s0 =	sadd.s32 @!p0 $0x100000, s0  }
0xea: {  	[sflag:s0] =	ssyncadd.tile.s32 @!p0 $0x1;
	_ =	shalt  }
.Lfunc_end2:
_tile_overlayer_lowered:
.L_overlay_start_2:
0xeb: {  	(tag) =	ssettag $0x2  }
0xec: {  	s0 =	rddreg [dreg:$0x0];
	s2 =	stileid.u32  }
0xed: {  	s1 =	rddreg [dreg:$0x1];
	p0 =	sne.s32 s2, $0x0  }
0xee: {  	s3 =	rddreg [dreg:$0x2];
	[bflag:$0x3] =	sbarrier.arrive $0xFFFF;
	s2 =	simm.s32 @!p0 $0x1C02  }
0xef: {  	[timem:s3], [sflag:s2] =	dma.local @!p0 [hbm:s0], s1  }
0xf0: {  	s0 =	simm.s32 @!p0 $0x2  }
0xf1: {  	_ =	swait.ge @!p0 [sflag:s0], s1  }
0xf2: {  	s1 =	ssub.s32 @!p0 $0x0, s1;
	[sflag:s0] =	ssyncset.done @!p0 $0x0  }
0xf3: {  	[sflag:s0] =	ssyncadd.s32 @!p0 s1  }
0xf4: {  	[bflag:$0x3] =	sbarrier.arrive $0xFFFF  }
0xf5: {  	_ =	shalt  }

</sc_bundles>
